<compile_context>
chip_gen: v7x
topology: tpu7x:2x2x1
jax: 0.10.2.dev20260603
libtpu: 0.0.44.dev20260713+nightly
codegen_flags: <defaults>
</compile_context>

<pallas_src>
import jax
import jax.numpy as jnp
from jax import lax
from jax.experimental import pallas as pl
from jax.experimental.pallas import tpu as pltpu, tpu_sc as plsc

B = 16384
F = 26
V = 100000

NC = 2
NS = 16
L = 16
VPAD = V
NW = NC * NS
BPW = B // NW
CHUNK = 128
NCHUNK = BPW // CHUNK


def _body(xt_hbm, table_hbm, out_hbm, idxv, valsv, outv, sem):
    wid = lax.axis_index("s") * NC + lax.axis_index("c")
    base = wid * BPW

    pltpu.sync_copy(xt_hbm.at[:, wid], idxv)

    def off_fire_f(f, _):
        fbase = jnp.full((L,), f * VPAD, jnp.int32)
        for j in range(NCHUNK):
            for o in range(CHUNK // L):
                sl = pl.ds(o * L, L)
                idxv[f, j, sl] = idxv[f, j, sl] + fbase
        for j in range(NCHUNK):
            pltpu.async_copy(
                table_hbm.at[idxv.at[f, j]],
                valsv.at[f, pl.ds(j * CHUNK, CHUNK)],
                sem,
            )
        return 0

    lax.fori_loop(0, F, off_fire_f, 0)

    for o in range(BPW // L):
        sl = pl.ds(o * L, L)
        outv[sl] = jnp.zeros((L,), jnp.float32)

    def drain_acc_f(f, _):
        for j in range(NCHUNK):
            pltpu.make_async_copy(
                table_hbm.at[idxv.at[f, j]],
                valsv.at[f, pl.ds(j * CHUNK, CHUNK)],
                sem,
            ).wait()
        for o in range(BPW // L):
            sl = pl.ds(o * L, L)
            outv[sl] = outv[sl] + valsv[f, sl]
        return 0

    lax.fori_loop(0, F, drain_acc_f, 0)

    pltpu.sync_copy(outv, out_hbm.at[pl.ds(base, BPW)])


@jax.jit
def _linear_logit(xt, table_flat):
    mesh = plsc.VectorSubcoreMesh(core_axis_name="c", subcore_axis_name="s")
    return pl.kernel(
        _body,
        out_type=jax.ShapeDtypeStruct((B,), jnp.float32),
        mesh=mesh,
        compiler_params=pltpu.CompilerParams(needs_layout_passes=False),
        scratch_types=[
            pltpu.VMEM((F, NCHUNK, CHUNK), jnp.int32),
            pltpu.VMEM((F, BPW), jnp.float32),
            pltpu.VMEM((BPW,), jnp.float32),
            pltpu.SemaphoreType.DMA,
        ],
    )(xt, table_flat)


def kernel(X, tables):
    xt = X.astype(jnp.int32).T.reshape(F, NW, NCHUNK, CHUNK)
    t2 = jax.lax.optimization_barrier(tables.reshape(F, V))
    table_flat = t2.reshape(F * V)
    return _linear_logit(xt, table_flat)

# --- scband reference (transcript-rebuilt; emitter-appended) ---
"""Pipeline reference for scband-linear-layer-65438121722098 (READ-ONLY COPY).

The authoritative reference and input builder live on the scoring server;
editing this copy changes nothing except your own understanding.
"""

import jax, jax.numpy as jnp
import numpy as np

B = 16384
F = 26
V = 100000

def setup_inputs(seed: int = 0) -> dict:
    key = jax.random.key(seed)
    kx, kw = jax.random.split(key)
    X = jax.random.randint(kx, (B, F), 0, V, dtype=jnp.int64) if jax.config.read('jax_enable_x64') else jax.random.randint(kx, (B, F), 0, V, dtype=jnp.int32)
    # One linear embedding table (dim=1) per sparse field, stacked: [F, V, 1]
    tables = (jax.random.normal(kw, (F, V, 1), dtype=jnp.float32) * 1e-4)
    return {"X": X, "tables": tables}

def reference(X, tables):
    # LinearLayer.forward: per-field embedding lookup (dim=1), concat on last dim, sum.
    F_ = tables.shape[0]
    embedding_list = [jnp.take(tables[i], X[:, i], axis=0) for i in range(F_)]  # each [B, 1]
    cat = jnp.concatenate(embedding_list, axis=-1)  # [B, F]
    linear_logit = jnp.sum(cat, axis=-1)            # [B]
    return linear_logit

if __name__ == "__main__":
    import jax
    _d = setup_inputs()
    print(jax.jit(kernel)(*tuple(_d.values())))

</pallas_src>

<mosaic_0001>
#map = affine_map<(d0, d1) -> (0, 0, 0, 0)>
#map1 = affine_map<(d0, d1) -> (0)>
module attributes {stable_mosaic.version = 14 : i64} {
  func.func @_body(%arg0: i32, %arg1: i32, %arg2: memref<26x32x4x128xi32, #tpu.memory_space<hbm>>, %arg3: memref<2600000xf32, #tpu.memory_space<hbm>>, %arg4: memref<16384xf32, #tpu.memory_space<hbm>>, %arg5: memref<26x4x128xi32, #tpu.memory_space<vmem>>, %arg6: memref<26x512xf32, #tpu.memory_space<vmem>>, %arg7: memref<512xf32, #tpu.memory_space<vmem>>, %arg8: memref<!tpu.dma_semaphore, #tpu.memory_space<semaphore_mem>>) attributes {dimension_semantics = [#tpu.dimension_semantics<core_parallel>, #tpu.dimension_semantics<subcore_parallel>], iteration_bounds = array<i64: 2, 16>, scalar_prefetch = 0 : i64, scratch_operands = 4 : i64, tpu.core_type = #tpu.core_type<sc_vector_subcore>, window_params = [{transform_indices = #map}, {transform_indices = #map1}, {transform_indices = #map1}]} {
    %mul3A = arith.constant 2 : i32
    %mul3A_0 = arith.muli %arg1, %mul3A : i32
    %add3A = arith.addi %mul3A_0, %arg0 : i32
    %mul3A_1 = arith.constant 512 : i32
    %mul3A_2 = arith.muli %add3A, %mul3A_1 : i32
    "tpu.region"() ({
      %run_scoped3A = tpu.sem_alloc : memref<!tpu.dma_semaphore, #tpu.memory_space<semaphore_mem>>
      %dma_start3A = arith.constant 0 : i32
      %dma_start3A_142 = arith.constant 0 : i32
      %dma_start3A_143 = arith.constant 0 : i32
      %dma_start3A_144 = tpu.memref_slice %arg2[%dma_start3A, %add3A, %dma_start3A_142, %dma_start3A_143] : memref<26x32x4x128xi32, #tpu.memory_space<hbm>> -> memref<26x1x4x128xi32, #tpu.memory_space<hbm>>
      %dma_start3A_145 = tpu.memref_squeeze %dma_start3A_144 : memref<26x1x4x128xi32, #tpu.memory_space<hbm>> -> memref<26x4x128xi32, #tpu.memory_space<hbm>>
      %dma_start3A_146 = arith.constant 0 : i32
      %dma_start3A_147 = arith.constant 0 : i32
      %dma_start3A_148 = arith.constant 0 : i32
      %dma_start3A_149 = tpu.memref_slice %arg2[%dma_start3A_146, %add3A, %dma_start3A_147, %dma_start3A_148] : memref<26x32x4x128xi32, #tpu.memory_space<hbm>> -> memref<26x1x4x128xi32, #tpu.memory_space<hbm>>
      %dma_start3A_150 = tpu.memref_squeeze %dma_start3A_149 : memref<26x1x4x128xi32, #tpu.memory_space<hbm>> -> memref<26x4x128xi32, #tpu.memory_space<hbm>>
      tpu.enqueue_dma source(%dma_start3A_150 : memref<26x4x128xi32, #tpu.memory_space<hbm>>) target(%arg5 : memref<26x4x128xi32, #tpu.memory_space<vmem>>) target_semaphore(%run_scoped3A : memref<!tpu.dma_semaphore, #tpu.memory_space<semaphore_mem>>)
      %dma_wait3A = arith.constant 0 : i32
      %dma_wait3A_151 = arith.constant 0 : i32
      %dma_wait3A_152 = arith.constant 0 : i32
      %dma_wait3A_153 = tpu.memref_slice %arg2[%dma_wait3A, %add3A, %dma_wait3A_151, %dma_wait3A_152] : memref<26x32x4x128xi32, #tpu.memory_space<hbm>> -> memref<26x1x4x128xi32, #tpu.memory_space<hbm>>
      %dma_wait3A_154 = tpu.memref_squeeze %dma_wait3A_153 : memref<26x1x4x128xi32, #tpu.memory_space<hbm>> -> memref<26x4x128xi32, #tpu.memory_space<hbm>>
      %dma_wait3A_155 = arith.constant 0 : i32
      %dma_wait3A_156 = arith.constant 0 : i32
      %dma_wait3A_157 = arith.constant 0 : i32
      %dma_wait3A_158 = tpu.memref_slice %arg2[%dma_wait3A_155, %add3A, %dma_wait3A_156, %dma_wait3A_157] : memref<26x32x4x128xi32, #tpu.memory_space<hbm>> -> memref<26x1x4x128xi32, #tpu.memory_space<hbm>>
      %dma_wait3A_159 = tpu.memref_squeeze %dma_wait3A_158 : memref<26x1x4x128xi32, #tpu.memory_space<hbm>> -> memref<26x4x128xi32, #tpu.memory_space<hbm>>
      tpu.wait_dma2 semaphore(%run_scoped3A : memref<!tpu.dma_semaphore, #tpu.memory_space<semaphore_mem>>) src(%dma_wait3A_159 : memref<26x4x128xi32, #tpu.memory_space<hbm>>) dst(%arg5 : memref<26x4x128xi32, #tpu.memory_space<vmem>>)
      tpu.yield
    }) : () -> ()
    %scan3A = arith.constant 0 : i32
    %scan3A_3 = arith.constant 0 : i32
    %scan3A_4 = arith.constant 26 : i32
    %scan3A_5 = arith.addi %scan3A_3, %scan3A_4 : i32
    %scan3A_6 = arith.constant 1 : i32
    %scan3A_7 = scf.for %scan3A_142 = %scan3A_3 to %scan3A_5 step %scan3A_6 iter_args(%scan3A_143 = %scan3A) -> (i32)  : i32 {
      %mul3A_144 = arith.constant 100000 : i32
      %mul3A_145 = arith.muli %scan3A_142, %mul3A_144 : i32
      %broadcast_in_dim3A_146 = vector.broadcast %mul3A_145 : i32 to vector<16xi32>
      %get3A = arith.constant 0 : i32
      %get3A_147 = arith.index_cast %scan3A_142 : i32 to index
      %get3A_148 = arith.index_cast %get3A : i32 to index
      %get3A_149 = arith.constant 0 : index
      %get3A_150 = tpu.vector_load %arg5[%get3A_147, %get3A_148, %get3A_149] {strides = array<i32>} : memref<26x4x128xi32, #tpu.memory_space<vmem>>, vector<16xi32>,
      %add3A_151 = arith.addi %get3A_150, %broadcast_in_dim3A_146 : vector<16xi32>
      %swap3A_152 = arith.constant 0 : i32
      %swap3A_153 = arith.index_cast %scan3A_142 : i32 to index
      %swap3A_154 = arith.index_cast %swap3A_152 : i32 to index
      %swap3A_155 = arith.constant 0 : index
      %swap3A_156 = tpu.vector_load %arg5[%swap3A_153, %swap3A_154, %swap3A_155] {strides = array<i32>} : memref<26x4x128xi32, #tpu.memory_space<vmem>>, vector<16xi32>,
      tpu.vector_store %arg5[%swap3A_153, %swap3A_154, %swap3A_155], %add3A_151 {strides = array<i32>} : memref<26x4x128xi32, #tpu.memory_space<vmem>>, vector<16xi32>,
      %get3A_157 = arith.constant 0 : i32
      %get3A_158 = arith.index_cast %scan3A_142 : i32 to index
      %get3A_159 = arith.index_cast %get3A_157 : i32 to index
      %get3A_160 = arith.constant 16 : index
      %get3A_161 = tpu.vector_load %arg5[%get3A_158, %get3A_159, %get3A_160] {strides = array<i32>} : memref<26x4x128xi32, #tpu.memory_space<vmem>>, vector<16xi32>,
      %add3A_162 = arith.addi %get3A_161, %broadcast_in_dim3A_146 : vector<16xi32>
      %swap3A_163 = arith.constant 0 : i32
      %swap3A_164 = arith.index_cast %scan3A_142 : i32 to index
      %swap3A_165 = arith.index_cast %swap3A_163 : i32 to index
      %swap3A_166 = arith.constant 16 : index
      %swap3A_167 = tpu.vector_load %arg5[%swap3A_164, %swap3A_165, %swap3A_166] {strides = array<i32>} : memref<26x4x128xi32, #tpu.memory_space<vmem>>, vector<16xi32>,
      tpu.vector_store %arg5[%swap3A_164, %swap3A_165, %swap3A_166], %add3A_162 {strides = array<i32>} : memref<26x4x128xi32, #tpu.memory_space<vmem>>, vector<16xi32>,
      %get3A_168 = arith.constant 0 : i32
      %get3A_169 = arith.index_cast %scan3A_142 : i32 to index
      %get3A_170 = arith.index_cast %get3A_168 : i32 to index
      %get3A_171 = arith.constant 32 : index
      %get3A_172 = tpu.vector_load %arg5[%get3A_169, %get3A_170, %get3A_171] {strides = array<i32>} : memref<26x4x128xi32, #tpu.memory_space<vmem>>, vector<16xi32>,
      %add3A_173 = arith.addi %get3A_172, %broadcast_in_dim3A_146 : vector<16xi32>
      %swap3A_174 = arith.constant 0 : i32
      %swap3A_175 = arith.index_cast %scan3A_142 : i32 to index
      %swap3A_176 = arith.index_cast %swap3A_174 : i32 to index
      %swap3A_177 = arith.constant 32 : index
      %swap3A_178 = tpu.vector_load %arg5[%swap3A_175, %swap3A_176, %swap3A_177] {strides = array<i32>} : memref<26x4x128xi32, #tpu.memory_space<vmem>>, vector<16xi32>,
      tpu.vector_store %arg5[%swap3A_175, %swap3A_176, %swap3A_177], %add3A_173 {strides = array<i32>} : memref<26x4x128xi32, #tpu.memory_space<vmem>>, vector<16xi32>,
      %get3A_179 = arith.constant 0 : i32
      %get3A_180 = arith.index_cast %scan3A_142 : i32 to index
      %get3A_181 = arith.index_cast %get3A_179 : i32 to index
      %get3A_182 = arith.constant 48 : index
      %get3A_183 = tpu.vector_load %arg5[%get3A_180, %get3A_181, %get3A_182] {strides = array<i32>} : memref<26x4x128xi32, #tpu.memory_space<vmem>>, vector<16xi32>,
      %add3A_184 = arith.addi %get3A_183, %broadcast_in_dim3A_146 : vector<16xi32>
      %swap3A_185 = arith.constant 0 : i32
      %swap3A_186 = arith.index_cast %scan3A_142 : i32 to index
      %swap3A_187 = arith.index_cast %swap3A_185 : i32 to index
      %swap3A_188 = arith.constant 48 : index
      %swap3A_189 = tpu.vector_load %arg5[%swap3A_186, %swap3A_187, %swap3A_188] {strides = array<i32>} : memref<26x4x128xi32, #tpu.memory_space<vmem>>, vector<16xi32>,
      tpu.vector_store %arg5[%swap3A_186, %swap3A_187, %swap3A_188], %add3A_184 {strides = array<i32>} : memref<26x4x128xi32, #tpu.memory_space<vmem>>, vector<16xi32>,
      %get3A_190 = arith.constant 0 : i32
      %get3A_191 = arith.index_cast %scan3A_142 : i32 to index
      %get3A_192 = arith.index_cast %get3A_190 : i32 to index
      %get3A_193 = arith.constant 64 : index
      %get3A_194 = tpu.vector_load %arg5[%get3A_191, %get3A_192, %get3A_193] {strides = array<i32>} : memref<26x4x128xi32, #tpu.memory_space<vmem>>, vector<16xi32>,
      %add3A_195 = arith.addi %get3A_194, %broadcast_in_dim3A_146 : vector<16xi32>
      %swap3A_196 = arith.constant 0 : i32
      %swap3A_197 = arith.index_cast %scan3A_142 : i32 to index
      %swap3A_198 = arith.index_cast %swap3A_196 : i32 to index
      %swap3A_199 = arith.constant 64 : index
      %swap3A_200 = tpu.vector_load %arg5[%swap3A_197, %swap3A_198, %swap3A_199] {strides = array<i32>} : memref<26x4x128xi32, #tpu.memory_space<vmem>>, vector<16xi32>,
      tpu.vector_store %arg5[%swap3A_197, %swap3A_198, %swap3A_199], %add3A_195 {strides = array<i32>} : memref<26x4x128xi32, #tpu.memory_space<vmem>>, vector<16xi32>,
      %get3A_201 = arith.constant 0 : i32
      %get3A_202 = arith.index_cast %scan3A_142 : i32 to index
      %get3A_203 = arith.index_cast %get3A_201 : i32 to index
      %get3A_204 = arith.constant 80 : index
      %get3A_205 = tpu.vector_load %arg5[%get3A_202, %get3A_203, %get3A_204] {strides = array<i32>} : memref<26x4x128xi32, #tpu.memory_space<vmem>>, vector<16xi32>,
      %add3A_206 = arith.addi %get3A_205, %broadcast_in_dim3A_146 : vector<16xi32>
      %swap3A_207 = arith.constant 0 : i32
      %swap3A_208 = arith.index_cast %scan3A_142 : i32 to index
      %swap3A_209 = arith.index_cast %swap3A_207 : i32 to index
      %swap3A_210 = arith.constant 80 : index
      %swap3A_211 = tpu.vector_load %arg5[%swap3A_208, %swap3A_209, %swap3A_210] {strides = array<i32>} : memref<26x4x128xi32, #tpu.memory_space<vmem>>, vector<16xi32>,
      tpu.vector_store %arg5[%swap3A_208, %swap3A_209, %swap3A_210], %add3A_206 {strides = array<i32>} : memref<26x4x128xi32, #tpu.memory_space<vmem>>, vector<16xi32>,
      %get3A_212 = arith.constant 0 : i32
      %get3A_213 = arith.index_cast %scan3A_142 : i32 to index
      %get3A_214 = arith.index_cast %get3A_212 : i32 to index
      %get3A_215 = arith.constant 96 : index
      %get3A_216 = tpu.vector_load %arg5[%get3A_213, %get3A_214, %get3A_215] {strides = array<i32>} : memref<26x4x128xi32, #tpu.memory_space<vmem>>, vector<16xi32>,
      %add3A_217 = arith.addi %get3A_216, %broadcast_in_dim3A_146 : vector<16xi32>
      %swap3A_218 = arith.constant 0 : i32
      %swap3A_219 = arith.index_cast %scan3A_142 : i32 to index
      %swap3A_220 = arith.index_cast %swap3A_218 : i32 to index
      %swap3A_221 = arith.constant 96 : index
      %swap3A_222 = tpu.vector_load %arg5[%swap3A_219, %swap3A_220, %swap3A_221] {strides = array<i32>} : memref<26x4x128xi32, #tpu.memory_space<vmem>>, vector<16xi32>,
      tpu.vector_store %arg5[%swap3A_219, %swap3A_220, %swap3A_221], %add3A_217 {strides = array<i32>} : memref<26x4x128xi32, #tpu.memory_space<vmem>>, vector<16xi32>,
      %get3A_223 = arith.constant 0 : i32
      %get3A_224 = arith.index_cast %scan3A_142 : i32 to index
      %get3A_225 = arith.index_cast %get3A_223 : i32 to index
      %get3A_226 = arith.constant 112 : index
      %get3A_227 = tpu.vector_load %arg5[%get3A_224, %get3A_225, %get3A_226] {strides = array<i32>} : memref<26x4x128xi32, #tpu.memory_space<vmem>>, vector<16xi32>,
      %add3A_228 = arith.addi %get3A_227, %broadcast_in_dim3A_146 : vector<16xi32>
      %swap3A_229 = arith.constant 0 : i32
      %swap3A_230 = arith.index_cast %scan3A_142 : i32 to index
      %swap3A_231 = arith.index_cast %swap3A_229 : i32 to index
      %swap3A_232 = arith.constant 112 : index
      %swap3A_233 = tpu.vector_load %arg5[%swap3A_230, %swap3A_231, %swap3A_232] {strides = array<i32>} : memref<26x4x128xi32, #tpu.memory_space<vmem>>, vector<16xi32>,
      tpu.vector_store %arg5[%swap3A_230, %swap3A_231, %swap3A_232], %add3A_228 {strides = array<i32>} : memref<26x4x128xi32, #tpu.memory_space<vmem>>, vector<16xi32>,
      %get3A_234 = arith.constant 1 : i32
      %get3A_235 = arith.index_cast %scan3A_142 : i32 to index
      %get3A_236 = arith.index_cast %get3A_234 : i32 to index
      %get3A_237 = arith.constant 0 : index
      %get3A_238 = tpu.vector_load %arg5[%get3A_235, %get3A_236, %get3A_237] {strides = array<i32>} : memref<26x4x128xi32, #tpu.memory_space<vmem>>, vector<16xi32>,
      %add3A_239 = arith.addi %get3A_238, %broadcast_in_dim3A_146 : vector<16xi32>
      %swap3A_240 = arith.constant 1 : i32
      %swap3A_241 = arith.index_cast %scan3A_142 : i32 to index
      %swap3A_242 = arith.index_cast %swap3A_240 : i32 to index
      %swap3A_243 = arith.constant 0 : index
      %swap3A_244 = tpu.vector_load %arg5[%swap3A_241, %swap3A_242, %swap3A_243] {strides = array<i32>} : memref<26x4x128xi32, #tpu.memory_space<vmem>>, vector<16xi32>,
      tpu.vector_store %arg5[%swap3A_241, %swap3A_242, %swap3A_243], %add3A_239 {strides = array<i32>} : memref<26x4x128xi32, #tpu.memory_space<vmem>>, vector<16xi32>,
      %get3A_245 = arith.constant 1 : i32
      %get3A_246 = arith.index_cast %scan3A_142 : i32 to index
      %get3A_247 = arith.index_cast %get3A_245 : i32 to index
      %get3A_248 = arith.constant 16 : index
      %get3A_249 = tpu.vector_load %arg5[%get3A_246, %get3A_247, %get3A_248] {strides = array<i32>} : memref<26x4x128xi32, #tpu.memory_space<vmem>>, vector<16xi32>,
      %add3A_250 = arith.addi %get3A_249, %broadcast_in_dim3A_146 : vector<16xi32>
      %swap3A_251 = arith.constant 1 : i32
      %swap3A_252 = arith.index_cast %scan3A_142 : i32 to index
      %swap3A_253 = arith.index_cast %swap3A_251 : i32 to index
      %swap3A_254 = arith.constant 16 : index
      %swap3A_255 = tpu.vector_load %arg5[%swap3A_252, %swap3A_253, %swap3A_254] {strides = array<i32>} : memref<26x4x128xi32, #tpu.memory_space<vmem>>, vector<16xi32>,
      tpu.vector_store %arg5[%swap3A_252, %swap3A_253, %swap3A_254], %add3A_250 {strides = array<i32>} : memref<26x4x128xi32, #tpu.memory_space<vmem>>, vector<16xi32>,
      %get3A_256 = arith.constant 1 : i32
      %get3A_257 = arith.index_cast %scan3A_142 : i32 to index
      %get3A_258 = arith.index_cast %get3A_256 : i32 to index
      %get3A_259 = arith.constant 32 : index
      %get3A_260 = tpu.vector_load %arg5[%get3A_257, %get3A_258, %get3A_259] {strides = array<i32>} : memref<26x4x128xi32, #tpu.memory_space<vmem>>, vector<16xi32>,
      %add3A_261 = arith.addi %get3A_260, %broadcast_in_dim3A_146 : vector<16xi32>
      %swap3A_262 = arith.constant 1 : i32
      %swap3A_263 = arith.index_cast %scan3A_142 : i32 to index
      %swap3A_264 = arith.index_cast %swap3A_262 : i32 to index
      %swap3A_265 = arith.constant 32 : index
      %swap3A_266 = tpu.vector_load %arg5[%swap3A_263, %swap3A_264, %swap3A_265] {strides = array<i32>} : memref<26x4x128xi32, #tpu.memory_space<vmem>>, vector<16xi32>,
      tpu.vector_store %arg5[%swap3A_263, %swap3A_264, %swap3A_265], %add3A_261 {strides = array<i32>} : memref<26x4x128xi32, #tpu.memory_space<vmem>>, vector<16xi32>,
      %get3A_267 = arith.constant 1 : i32
      %get3A_268 = arith.index_cast %scan3A_142 : i32 to index
      %get3A_269 = arith.index_cast %get3A_267 : i32 to index
      %get3A_270 = arith.constant 48 : index
      %get3A_271 = tpu.vector_load %arg5[%get3A_268, %get3A_269, %get3A_270] {strides = array<i32>} : memref<26x4x128xi32, #tpu.memory_space<vmem>>, vector<16xi32>,
      %add3A_272 = arith.addi %get3A_271, %broadcast_in_dim3A_146 : vector<16xi32>
      %swap3A_273 = arith.constant 1 : i32
      %swap3A_274 = arith.index_cast %scan3A_142 : i32 to index
      %swap3A_275 = arith.index_cast %swap3A_273 : i32 to index
      %swap3A_276 = arith.constant 48 : index
      %swap3A_277 = tpu.vector_load %arg5[%swap3A_274, %swap3A_275, %swap3A_276] {strides = array<i32>} : memref<26x4x128xi32, #tpu.memory_space<vmem>>, vector<16xi32>,
      tpu.vector_store %arg5[%swap3A_274, %swap3A_275, %swap3A_276], %add3A_272 {strides = array<i32>} : memref<26x4x128xi32, #tpu.memory_space<vmem>>, vector<16xi32>,
      %get3A_278 = arith.constant 1 : i32
      %get3A_279 = arith.index_cast %scan3A_142 : i32 to index
      %get3A_280 = arith.index_cast %get3A_278 : i32 to index
      %get3A_281 = arith.constant 64 : index
      %get3A_282 = tpu.vector_load %arg5[%get3A_279, %get3A_280, %get3A_281] {strides = array<i32>} : memref<26x4x128xi32, #tpu.memory_space<vmem>>, vector<16xi32>,
      %add3A_283 = arith.addi %get3A_282, %broadcast_in_dim3A_146 : vector<16xi32>
      %swap3A_284 = arith.constant 1 : i32
      %swap3A_285 = arith.index_cast %scan3A_142 : i32 to index
      %swap3A_286 = arith.index_cast %swap3A_284 : i32 to index
      %swap3A_287 = arith.constant 64 : index
      %swap3A_288 = tpu.vector_load %arg5[%swap3A_285, %swap3A_286, %swap3A_287] {strides = array<i32>} : memref<26x4x128xi32, #tpu.memory_space<vmem>>, vector<16xi32>,
      tpu.vector_store %arg5[%swap3A_285, %swap3A_286, %swap3A_287], %add3A_283 {strides = array<i32>} : memref<26x4x128xi32, #tpu.memory_space<vmem>>, vector<16xi32>,
      %get3A_289 = arith.constant 1 : i32
      %get3A_290 = arith.index_cast %scan3A_142 : i32 to index
      %get3A_291 = arith.index_cast %get3A_289 : i32 to index
      %get3A_292 = arith.constant 80 : index
      %get3A_293 = tpu.vector_load %arg5[%get3A_290, %get3A_291, %get3A_292] {strides = array<i32>} : memref<26x4x128xi32, #tpu.memory_space<vmem>>, vector<16xi32>,
      %add3A_294 = arith.addi %get3A_293, %broadcast_in_dim3A_146 : vector<16xi32>
      %swap3A_295 = arith.constant 1 : i32
      %swap3A_296 = arith.index_cast %scan3A_142 : i32 to index
      %swap3A_297 = arith.index_cast %swap3A_295 : i32 to index
      %swap3A_298 = arith.constant 80 : index
      %swap3A_299 = tpu.vector_load %arg5[%swap3A_296, %swap3A_297, %swap3A_298] {strides = array<i32>} : memref<26x4x128xi32, #tpu.memory_space<vmem>>, vector<16xi32>,
      tpu.vector_store %arg5[%swap3A_296, %swap3A_297, %swap3A_298], %add3A_294 {strides = array<i32>} : memref<26x4x128xi32, #tpu.memory_space<vmem>>, vector<16xi32>,
      %get3A_300 = arith.constant 1 : i32
      %get3A_301 = arith.index_cast %scan3A_142 : i32 to index
      %get3A_302 = arith.index_cast %get3A_300 : i32 to index
      %get3A_303 = arith.constant 96 : index
      %get3A_304 = tpu.vector_load %arg5[%get3A_301, %get3A_302, %get3A_303] {strides = array<i32>} : memref<26x4x128xi32, #tpu.memory_space<vmem>>, vector<16xi32>,
      %add3A_305 = arith.addi %get3A_304, %broadcast_in_dim3A_146 : vector<16xi32>
      %swap3A_306 = arith.constant 1 : i32
      %swap3A_307 = arith.index_cast %scan3A_142 : i32 to index
      %swap3A_308 = arith.index_cast %swap3A_306 : i32 to index
      %swap3A_309 = arith.constant 96 : index
      %swap3A_310 = tpu.vector_load %arg5[%swap3A_307, %swap3A_308, %swap3A_309] {strides = array<i32>} : memref<26x4x128xi32, #tpu.memory_space<vmem>>, vector<16xi32>,
      tpu.vector_store %arg5[%swap3A_307, %swap3A_308, %swap3A_309], %add3A_305 {strides = array<i32>} : memref<26x4x128xi32, #tpu.memory_space<vmem>>, vector<16xi32>,
      %get3A_311 = arith.constant 1 : i32
      %get3A_312 = arith.index_cast %scan3A_142 : i32 to index
      %get3A_313 = arith.index_cast %get3A_311 : i32 to index
      %get3A_314 = arith.constant 112 : index
      %get3A_315 = tpu.vector_load %arg5[%get3A_312, %get3A_313, %get3A_314] {strides = array<i32>} : memref<26x4x128xi32, #tpu.memory_space<vmem>>, vector<16xi32>,
      %add3A_316 = arith.addi %get3A_315, %broadcast_in_dim3A_146 : vector<16xi32>
      %swap3A_317 = arith.constant 1 : i32
      %swap3A_318 = arith.index_cast %scan3A_142 : i32 to index
      %swap3A_319 = arith.index_cast %swap3A_317 : i32 to index
      %swap3A_320 = arith.constant 112 : index
      %swap3A_321 = tpu.vector_load %arg5[%swap3A_318, %swap3A_319, %swap3A_320] {strides = array<i32>} : memref<26x4x128xi32, #tpu.memory_space<vmem>>, vector<16xi32>,
      tpu.vector_store %arg5[%swap3A_318, %swap3A_319, %swap3A_320], %add3A_316 {strides = array<i32>} : memref<26x4x128xi32, #tpu.memory_space<vmem>>, vector<16xi32>,
      %get3A_322 = arith.constant 2 : i32
      %get3A_323 = arith.index_cast %scan3A_142 : i32 to index
      %get3A_324 = arith.index_cast %get3A_322 : i32 to index
      %get3A_325 = arith.constant 0 : index
      %get3A_326 = tpu.vector_load %arg5[%get3A_323, %get3A_324, %get3A_325] {strides = array<i32>} : memref<26x4x128xi32, #tpu.memory_space<vmem>>, vector<16xi32>,
      %add3A_327 = arith.addi %get3A_326, %broadcast_in_dim3A_146 : vector<16xi32>
      %swap3A_328 = arith.constant 2 : i32
      %swap3A_329 = arith.index_cast %scan3A_142 : i32 to index
      %swap3A_330 = arith.index_cast %swap3A_328 : i32 to index
      %swap3A_331 = arith.constant 0 : index
      %swap3A_332 = tpu.vector_load %arg5[%swap3A_329, %swap3A_330, %swap3A_331] {strides = array<i32>} : memref<26x4x128xi32, #tpu.memory_space<vmem>>, vector<16xi32>,
      tpu.vector_store %arg5[%swap3A_329, %swap3A_330, %swap3A_331], %add3A_327 {strides = array<i32>} : memref<26x4x128xi32, #tpu.memory_space<vmem>>, vector<16xi32>,
      %get3A_333 = arith.constant 2 : i32
      %get3A_334 = arith.index_cast %scan3A_142 : i32 to index
      %get3A_335 = arith.index_cast %get3A_333 : i32 to index
      %get3A_336 = arith.constant 16 : index
      %get3A_337 = tpu.vector_load %arg5[%get3A_334, %get3A_335, %get3A_336] {strides = array<i32>} : memref<26x4x128xi32, #tpu.memory_space<vmem>>, vector<16xi32>,
      %add3A_338 = arith.addi %get3A_337, %broadcast_in_dim3A_146 : vector<16xi32>
      %swap3A_339 = arith.constant 2 : i32
      %swap3A_340 = arith.index_cast %scan3A_142 : i32 to index
      %swap3A_341 = arith.index_cast %swap3A_339 : i32 to index
      %swap3A_342 = arith.constant 16 : index
      %swap3A_343 = tpu.vector_load %arg5[%swap3A_340, %swap3A_341, %swap3A_342] {strides = array<i32>} : memref<26x4x128xi32, #tpu.memory_space<vmem>>, vector<16xi32>,
      tpu.vector_store %arg5[%swap3A_340, %swap3A_341, %swap3A_342], %add3A_338 {strides = array<i32>} : memref<26x4x128xi32, #tpu.memory_space<vmem>>, vector<16xi32>,
      %get3A_344 = arith.constant 2 : i32
      %get3A_345 = arith.index_cast %scan3A_142 : i32 to index
      %get3A_346 = arith.index_cast %get3A_344 : i32 to index
      %get3A_347 = arith.constant 32 : index
      %get3A_348 = tpu.vector_load %arg5[%get3A_345, %get3A_346, %get3A_347] {strides = array<i32>} : memref<26x4x128xi32, #tpu.memory_space<vmem>>, vector<16xi32>,
      %add3A_349 = arith.addi %get3A_348, %broadcast_in_dim3A_146 : vector<16xi32>
      %swap3A_350 = arith.constant 2 : i32
      %swap3A_351 = arith.index_cast %scan3A_142 : i32 to index
      %swap3A_352 = arith.index_cast %swap3A_350 : i32 to index
      %swap3A_353 = arith.constant 32 : index
      %swap3A_354 = tpu.vector_load %arg5[%swap3A_351, %swap3A_352, %swap3A_353] {strides = array<i32>} : memref<26x4x128xi32, #tpu.memory_space<vmem>>, vector<16xi32>,
      tpu.vector_store %arg5[%swap3A_351, %swap3A_352, %swap3A_353], %add3A_349 {strides = array<i32>} : memref<26x4x128xi32, #tpu.memory_space<vmem>>, vector<16xi32>,
      %get3A_355 = arith.constant 2 : i32
      %get3A_356 = arith.index_cast %scan3A_142 : i32 to index
      %get3A_357 = arith.index_cast %get3A_355 : i32 to index
      %get3A_358 = arith.constant 48 : index
      %get3A_359 = tpu.vector_load %arg5[%get3A_356, %get3A_357, %get3A_358] {strides = array<i32>} : memref<26x4x128xi32, #tpu.memory_space<vmem>>, vector<16xi32>,
      %add3A_360 = arith.addi %get3A_359, %broadcast_in_dim3A_146 : vector<16xi32>
      %swap3A_361 = arith.constant 2 : i32
      %swap3A_362 = arith.index_cast %scan3A_142 : i32 to index
      %swap3A_363 = arith.index_cast %swap3A_361 : i32 to index
      %swap3A_364 = arith.constant 48 : index
      %swap3A_365 = tpu.vector_load %arg5[%swap3A_362, %swap3A_363, %swap3A_364] {strides = array<i32>} : memref<26x4x128xi32, #tpu.memory_space<vmem>>, vector<16xi32>,
      tpu.vector_store %arg5[%swap3A_362, %swap3A_363, %swap3A_364], %add3A_360 {strides = array<i32>} : memref<26x4x128xi32, #tpu.memory_space<vmem>>, vector<16xi32>,
      %get3A_366 = arith.constant 2 : i32
      %get3A_367 = arith.index_cast %scan3A_142 : i32 to index
      %get3A_368 = arith.index_cast %get3A_366 : i32 to index
      %get3A_369 = arith.constant 64 : index
      %get3A_370 = tpu.vector_load %arg5[%get3A_367, %get3A_368, %get3A_369] {strides = array<i32>} : memref<26x4x128xi32, #tpu.memory_space<vmem>>, vector<16xi32>,
      %add3A_371 = arith.addi %get3A_370, %broadcast_in_dim3A_146 : vector<16xi32>
      %swap3A_372 = arith.constant 2 : i32
      %swap3A_373 = arith.index_cast %scan3A_142 : i32 to index
      %swap3A_374 = arith.index_cast %swap3A_372 : i32 to index
      %swap3A_375 = arith.constant 64 : index
      %swap3A_376 = tpu.vector_load %arg5[%swap3A_373, %swap3A_374, %swap3A_375] {strides = array<i32>} : memref<26x4x128xi32, #tpu.memory_space<vmem>>, vector<16xi32>,
      tpu.vector_store %arg5[%swap3A_373, %swap3A_374, %swap3A_375], %add3A_371 {strides = array<i32>} : memref<26x4x128xi32, #tpu.memory_space<vmem>>, vector<16xi32>,
      %get3A_377 = arith.constant 2 : i32
      %get3A_378 = arith.index_cast %scan3A_142 : i32 to index
      %get3A_379 = arith.index_cast %get3A_377 : i32 to index
      %get3A_380 = arith.constant 80 : index
      %get3A_381 = tpu.vector_load %arg5[%get3A_378, %get3A_379, %get3A_380] {strides = array<i32>} : memref<26x4x128xi32, #tpu.memory_space<vmem>>, vector<16xi32>,
      %add3A_382 = arith.addi %get3A_381, %broadcast_in_dim3A_146 : vector<16xi32>
      %swap3A_383 = arith.constant 2 : i32
      %swap3A_384 = arith.index_cast %scan3A_142 : i32 to index
      %swap3A_385 = arith.index_cast %swap3A_383 : i32 to index
      %swap3A_386 = arith.constant 80 : index
      %swap3A_387 = tpu.vector_load %arg5[%swap3A_384, %swap3A_385, %swap3A_386] {strides = array<i32>} : memref<26x4x128xi32, #tpu.memory_space<vmem>>, vector<16xi32>,
      tpu.vector_store %arg5[%swap3A_384, %swap3A_385, %swap3A_386], %add3A_382 {strides = array<i32>} : memref<26x4x128xi32, #tpu.memory_space<vmem>>, vector<16xi32>,
      %get3A_388 = arith.constant 2 : i32
      %get3A_389 = arith.index_cast %scan3A_142 : i32 to index
      %get3A_390 = arith.index_cast %get3A_388 : i32 to index
      %get3A_391 = arith.constant 96 : index
      %get3A_392 = tpu.vector_load %arg5[%get3A_389, %get3A_390, %get3A_391] {strides = array<i32>} : memref<26x4x128xi32, #tpu.memory_space<vmem>>, vector<16xi32>,
      %add3A_393 = arith.addi %get3A_392, %broadcast_in_dim3A_146 : vector<16xi32>
      %swap3A_394 = arith.constant 2 : i32
      %swap3A_395 = arith.index_cast %scan3A_142 : i32 to index
      %swap3A_396 = arith.index_cast %swap3A_394 : i32 to index
      %swap3A_397 = arith.constant 96 : index
      %swap3A_398 = tpu.vector_load %arg5[%swap3A_395, %swap3A_396, %swap3A_397] {strides = array<i32>} : memref<26x4x128xi32, #tpu.memory_space<vmem>>, vector<16xi32>,
      tpu.vector_store %arg5[%swap3A_395, %swap3A_396, %swap3A_397], %add3A_393 {strides = array<i32>} : memref<26x4x128xi32, #tpu.memory_space<vmem>>, vector<16xi32>,
      %get3A_399 = arith.constant 2 : i32
      %get3A_400 = arith.index_cast %scan3A_142 : i32 to index
      %get3A_401 = arith.index_cast %get3A_399 : i32 to index
      %get3A_402 = arith.constant 112 : index
      %get3A_403 = tpu.vector_load %arg5[%get3A_400, %get3A_401, %get3A_402] {strides = array<i32>} : memref<26x4x128xi32, #tpu.memory_space<vmem>>, vector<16xi32>,
      %add3A_404 = arith.addi %get3A_403, %broadcast_in_dim3A_146 : vector<16xi32>
      %swap3A_405 = arith.constant 2 : i32
      %swap3A_406 = arith.index_cast %scan3A_142 : i32 to index
      %swap3A_407 = arith.index_cast %swap3A_405 : i32 to index
      %swap3A_408 = arith.constant 112 : index
      %swap3A_409 = tpu.vector_load %arg5[%swap3A_406, %swap3A_407, %swap3A_408] {strides = array<i32>} : memref<26x4x128xi32, #tpu.memory_space<vmem>>, vector<16xi32>,
      tpu.vector_store %arg5[%swap3A_406, %swap3A_407, %swap3A_408], %add3A_404 {strides = array<i32>} : memref<26x4x128xi32, #tpu.memory_space<vmem>>, vector<16xi32>,
      %get3A_410 = arith.constant 3 : i32
      %get3A_411 = arith.index_cast %scan3A_142 : i32 to index
      %get3A_412 = arith.index_cast %get3A_410 : i32 to index
      %get3A_413 = arith.constant 0 : index
      %get3A_414 = tpu.vector_load %arg5[%get3A_411, %get3A_412, %get3A_413] {strides = array<i32>} : memref<26x4x128xi32, #tpu.memory_space<vmem>>, vector<16xi32>,
      %add3A_415 = arith.addi %get3A_414, %broadcast_in_dim3A_146 : vector<16xi32>
      %swap3A_416 = arith.constant 3 : i32
      %swap3A_417 = arith.index_cast %scan3A_142 : i32 to index
      %swap3A_418 = arith.index_cast %swap3A_416 : i32 to index
      %swap3A_419 = arith.constant 0 : index
      %swap3A_420 = tpu.vector_load %arg5[%swap3A_417, %swap3A_418, %swap3A_419] {strides = array<i32>} : memref<26x4x128xi32, #tpu.memory_space<vmem>>, vector<16xi32>,
      tpu.vector_store %arg5[%swap3A_417, %swap3A_418, %swap3A_419], %add3A_415 {strides = array<i32>} : memref<26x4x128xi32, #tpu.memory_space<vmem>>, vector<16xi32>,
      %get3A_421 = arith.constant 3 : i32
      %get3A_422 = arith.index_cast %scan3A_142 : i32 to index
      %get3A_423 = arith.index_cast %get3A_421 : i32 to index
      %get3A_424 = arith.constant 16 : index
      %get3A_425 = tpu.vector_load %arg5[%get3A_422, %get3A_423, %get3A_424] {strides = array<i32>} : memref<26x4x128xi32, #tpu.memory_space<vmem>>, vector<16xi32>,
      %add3A_426 = arith.addi %get3A_425, %broadcast_in_dim3A_146 : vector<16xi32>
      %swap3A_427 = arith.constant 3 : i32
      %swap3A_428 = arith.index_cast %scan3A_142 : i32 to index
      %swap3A_429 = arith.index_cast %swap3A_427 : i32 to index
      %swap3A_430 = arith.constant 16 : index
      %swap3A_431 = tpu.vector_load %arg5[%swap3A_428, %swap3A_429, %swap3A_430] {strides = array<i32>} : memref<26x4x128xi32, #tpu.memory_space<vmem>>, vector<16xi32>,
      tpu.vector_store %arg5[%swap3A_428, %swap3A_429, %swap3A_430], %add3A_426 {strides = array<i32>} : memref<26x4x128xi32, #tpu.memory_space<vmem>>, vector<16xi32>,
      %get3A_432 = arith.constant 3 : i32
      %get3A_433 = arith.index_cast %scan3A_142 : i32 to index
      %get3A_434 = arith.index_cast %get3A_432 : i32 to index
      %get3A_435 = arith.constant 32 : index
      %get3A_436 = tpu.vector_load %arg5[%get3A_433, %get3A_434, %get3A_435] {strides = array<i32>} : memref<26x4x128xi32, #tpu.memory_space<vmem>>, vector<16xi32>,
      %add3A_437 = arith.addi %get3A_436, %broadcast_in_dim3A_146 : vector<16xi32>
      %swap3A_438 = arith.constant 3 : i32
      %swap3A_439 = arith.index_cast %scan3A_142 : i32 to index
      %swap3A_440 = arith.index_cast %swap3A_438 : i32 to index
      %swap3A_441 = arith.constant 32 : index
      %swap3A_442 = tpu.vector_load %arg5[%swap3A_439, %swap3A_440, %swap3A_441] {strides = array<i32>} : memref<26x4x128xi32, #tpu.memory_space<vmem>>, vector<16xi32>,
      tpu.vector_store %arg5[%swap3A_439, %swap3A_440, %swap3A_441], %add3A_437 {strides = array<i32>} : memref<26x4x128xi32, #tpu.memory_space<vmem>>, vector<16xi32>,
      %get3A_443 = arith.constant 3 : i32
      %get3A_444 = arith.index_cast %scan3A_142 : i32 to index
      %get3A_445 = arith.index_cast %get3A_443 : i32 to index
      %get3A_446 = arith.constant 48 : index
      %get3A_447 = tpu.vector_load %arg5[%get3A_444, %get3A_445, %get3A_446] {strides = array<i32>} : memref<26x4x128xi32, #tpu.memory_space<vmem>>, vector<16xi32>,
      %add3A_448 = arith.addi %get3A_447, %broadcast_in_dim3A_146 : vector<16xi32>
      %swap3A_449 = arith.constant 3 : i32
      %swap3A_450 = arith.index_cast %scan3A_142 : i32 to index
      %swap3A_451 = arith.index_cast %swap3A_449 : i32 to index
      %swap3A_452 = arith.constant 48 : index
      %swap3A_453 = tpu.vector_load %arg5[%swap3A_450, %swap3A_451, %swap3A_452] {strides = array<i32>} : memref<26x4x128xi32, #tpu.memory_space<vmem>>, vector<16xi32>,
      tpu.vector_store %arg5[%swap3A_450, %swap3A_451, %swap3A_452], %add3A_448 {strides = array<i32>} : memref<26x4x128xi32, #tpu.memory_space<vmem>>, vector<16xi32>,
      %get3A_454 = arith.constant 3 : i32
      %get3A_455 = arith.index_cast %scan3A_142 : i32 to index
      %get3A_456 = arith.index_cast %get3A_454 : i32 to index
      %get3A_457 = arith.constant 64 : index
      %get3A_458 = tpu.vector_load %arg5[%get3A_455, %get3A_456, %get3A_457] {strides = array<i32>} : memref<26x4x128xi32, #tpu.memory_space<vmem>>, vector<16xi32>,
      %add3A_459 = arith.addi %get3A_458, %broadcast_in_dim3A_146 : vector<16xi32>
      %swap3A_460 = arith.constant 3 : i32
      %swap3A_461 = arith.index_cast %scan3A_142 : i32 to index
      %swap3A_462 = arith.index_cast %swap3A_460 : i32 to index
      %swap3A_463 = arith.constant 64 : index
      %swap3A_464 = tpu.vector_load %arg5[%swap3A_461, %swap3A_462, %swap3A_463] {strides = array<i32>} : memref<26x4x128xi32, #tpu.memory_space<vmem>>, vector<16xi32>,
      tpu.vector_store %arg5[%swap3A_461, %swap3A_462, %swap3A_463], %add3A_459 {strides = array<i32>} : memref<26x4x128xi32, #tpu.memory_space<vmem>>, vector<16xi32>,
      %get3A_465 = arith.constant 3 : i32
      %get3A_466 = arith.index_cast %scan3A_142 : i32 to index
      %get3A_467 = arith.index_cast %get3A_465 : i32 to index
      %get3A_468 = arith.constant 80 : index
      %get3A_469 = tpu.vector_load %arg5[%get3A_466, %get3A_467, %get3A_468] {strides = array<i32>} : memref<26x4x128xi32, #tpu.memory_space<vmem>>, vector<16xi32>,
      %add3A_470 = arith.addi %get3A_469, %broadcast_in_dim3A_146 : vector<16xi32>
      %swap3A_471 = arith.constant 3 : i32
      %swap3A_472 = arith.index_cast %scan3A_142 : i32 to index
      %swap3A_473 = arith.index_cast %swap3A_471 : i32 to index
      %swap3A_474 = arith.constant 80 : index
      %swap3A_475 = tpu.vector_load %arg5[%swap3A_472, %swap3A_473, %swap3A_474] {strides = array<i32>} : memref<26x4x128xi32, #tpu.memory_space<vmem>>, vector<16xi32>,
      tpu.vector_store %arg5[%swap3A_472, %swap3A_473, %swap3A_474], %add3A_470 {strides = array<i32>} : memref<26x4x128xi32, #tpu.memory_space<vmem>>, vector<16xi32>,
      %get3A_476 = arith.constant 3 : i32
      %get3A_477 = arith.index_cast %scan3A_142 : i32 to index
      %get3A_478 = arith.index_cast %get3A_476 : i32 to index
      %get3A_479 = arith.constant 96 : index
      %get3A_480 = tpu.vector_load %arg5[%get3A_477, %get3A_478, %get3A_479] {strides = array<i32>} : memref<26x4x128xi32, #tpu.memory_space<vmem>>, vector<16xi32>,
      %add3A_481 = arith.addi %get3A_480, %broadcast_in_dim3A_146 : vector<16xi32>
      %swap3A_482 = arith.constant 3 : i32
      %swap3A_483 = arith.index_cast %scan3A_142 : i32 to index
      %swap3A_484 = arith.index_cast %swap3A_482 : i32 to index
      %swap3A_485 = arith.constant 96 : index
      %swap3A_486 = tpu.vector_load %arg5[%swap3A_483, %swap3A_484, %swap3A_485] {strides = array<i32>} : memref<26x4x128xi32, #tpu.memory_space<vmem>>, vector<16xi32>,
      tpu.vector_store %arg5[%swap3A_483, %swap3A_484, %swap3A_485], %add3A_481 {strides = array<i32>} : memref<26x4x128xi32, #tpu.memory_space<vmem>>, vector<16xi32>,
      %get3A_487 = arith.constant 3 : i32
      %get3A_488 = arith.index_cast %scan3A_142 : i32 to index
      %get3A_489 = arith.index_cast %get3A_487 : i32 to index
      %get3A_490 = arith.constant 112 : index
      %get3A_491 = tpu.vector_load %arg5[%get3A_488, %get3A_489, %get3A_490] {strides = array<i32>} : memref<26x4x128xi32, #tpu.memory_space<vmem>>, vector<16xi32>,
      %add3A_492 = arith.addi %get3A_491, %broadcast_in_dim3A_146 : vector<16xi32>
      %swap3A_493 = arith.constant 3 : i32
      %swap3A_494 = arith.index_cast %scan3A_142 : i32 to index
      %swap3A_495 = arith.index_cast %swap3A_493 : i32 to index
      %swap3A_496 = arith.constant 112 : index
      %swap3A_497 = tpu.vector_load %arg5[%swap3A_494, %swap3A_495, %swap3A_496] {strides = array<i32>} : memref<26x4x128xi32, #tpu.memory_space<vmem>>, vector<16xi32>,
      tpu.vector_store %arg5[%swap3A_494, %swap3A_495, %swap3A_496], %add3A_492 {strides = array<i32>} : memref<26x4x128xi32, #tpu.memory_space<vmem>>, vector<16xi32>,
      %dma_start3A = arith.constant 0 : i32
      %dma_start3A_498 = arith.constant 0 : i32
      %dma_start3A_499 = tpu.memref_slice %arg6[%scan3A_142, %dma_start3A_498] : memref<26x512xf32, #tpu.memory_space<vmem>> -> memref<1x128xf32, #tpu.memory_space<vmem>>
      %dma_start3A_500 = tpu.memref_squeeze %dma_start3A_499 : memref<1x128xf32, #tpu.memory_space<vmem>> -> memref<128xf32, #tpu.memory_space<vmem>>
      %dma_start3A_501 = arith.constant 0 : i32
      %dma_start3A_502 = tpu.memref_slice %arg5[%scan3A_142, %dma_start3A, %dma_start3A_501] : memref<26x4x128xi32, #tpu.memory_space<vmem>> -> memref<1x1x128xi32, #tpu.memory_space<vmem>>
      %dma_start3A_503 = tpu.memref_squeeze %dma_start3A_502 : memref<1x1x128xi32, #tpu.memory_space<vmem>> -> memref<128xi32, #tpu.memory_space<vmem>>
      %dma_start3A_504 = arith.constant 0 : i32
      %dma_start3A_505 = tpu.memref_slice %arg3[%dma_start3A_504] : memref<2600000xf32, #tpu.memory_space<hbm>> -> memref<2600000xf32, #tpu.memory_space<hbm>>
      tpu.enqueue_indirect_dma source(%dma_start3A_505 : memref<2600000xf32, #tpu.memory_space<hbm>>) target(%dma_start3A_500 : memref<128xf32, #tpu.memory_space<vmem>>) offsets(%dma_start3A_503 : memref<128xi32, #tpu.memory_space<vmem>>) semaphore(%arg8 : memref<!tpu.dma_semaphore, #tpu.memory_space<semaphore_mem>>)
      %dma_start3A_506 = arith.constant 1 : i32
      %dma_start3A_507 = arith.constant 128 : i32
      %dma_start3A_508 = tpu.memref_slice %arg6[%scan3A_142, %dma_start3A_507] : memref<26x512xf32, #tpu.memory_space<vmem>> -> memref<1x128xf32, #tpu.memory_space<vmem>>
      %dma_start3A_509 = tpu.memref_squeeze %dma_start3A_508 : memref<1x128xf32, #tpu.memory_space<vmem>> -> memref<128xf32, #tpu.memory_space<vmem>>
      %dma_start3A_510 = arith.constant 0 : i32
      %dma_start3A_511 = tpu.memref_slice %arg5[%scan3A_142, %dma_start3A_506, %dma_start3A_510] : memref<26x4x128xi32, #tpu.memory_space<vmem>> -> memref<1x1x128xi32, #tpu.memory_space<vmem>>
      %dma_start3A_512 = tpu.memref_squeeze %dma_start3A_511 : memref<1x1x128xi32, #tpu.memory_space<vmem>> -> memref<128xi32, #tpu.memory_space<vmem>>
      %dma_start3A_513 = arith.constant 0 : i32
      %dma_start3A_514 = tpu.memref_slice %arg3[%dma_start3A_513] : memref<2600000xf32, #tpu.memory_space<hbm>> -> memref<2600000xf32, #tpu.memory_space<hbm>>
      tpu.enqueue_indirect_dma source(%dma_start3A_514 : memref<2600000xf32, #tpu.memory_space<hbm>>) target(%dma_start3A_509 : memref<128xf32, #tpu.memory_space<vmem>>) offsets(%dma_start3A_512 : memref<128xi32, #tpu.memory_space<vmem>>) semaphore(%arg8 : memref<!tpu.dma_semaphore, #tpu.memory_space<semaphore_mem>>)
      %dma_start3A_515 = arith.constant 2 : i32
      %dma_start3A_516 = arith.constant 256 : i32
      %dma_start3A_517 = tpu.memref_slice %arg6[%scan3A_142, %dma_start3A_516] : memref<26x512xf32, #tpu.memory_space<vmem>> -> memref<1x128xf32, #tpu.memory_space<vmem>>
      %dma_start3A_518 = tpu.memref_squeeze %dma_start3A_517 : memref<1x128xf32, #tpu.memory_space<vmem>> -> memref<128xf32, #tpu.memory_space<vmem>>
      %dma_start3A_519 = arith.constant 0 : i32
      %dma_start3A_520 = tpu.memref_slice %arg5[%scan3A_142, %dma_start3A_515, %dma_start3A_519] : memref<26x4x128xi32, #tpu.memory_space<vmem>> -> memref<1x1x128xi32, #tpu.memory_space<vmem>>
      %dma_start3A_521 = tpu.memref_squeeze %dma_start3A_520 : memref<1x1x128xi32, #tpu.memory_space<vmem>> -> memref<128xi32, #tpu.memory_space<vmem>>
      %dma_start3A_522 = arith.constant 0 : i32
      %dma_start3A_523 = tpu.memref_slice %arg3[%dma_start3A_522] : memref<2600000xf32, #tpu.memory_space<hbm>> -> memref<2600000xf32, #tpu.memory_space<hbm>>
      tpu.enqueue_indirect_dma source(%dma_start3A_523 : memref<2600000xf32, #tpu.memory_space<hbm>>) target(%dma_start3A_518 : memref<128xf32, #tpu.memory_space<vmem>>) offsets(%dma_start3A_521 : memref<128xi32, #tpu.memory_space<vmem>>) semaphore(%arg8 : memref<!tpu.dma_semaphore, #tpu.memory_space<semaphore_mem>>)
      %dma_start3A_524 = arith.constant 3 : i32
      %dma_start3A_525 = arith.constant 384 : i32
      %dma_start3A_526 = tpu.memref_slice %arg6[%scan3A_142, %dma_start3A_525] : memref<26x512xf32, #tpu.memory_space<vmem>> -> memref<1x128xf32, #tpu.memory_space<vmem>>
      %dma_start3A_527 = tpu.memref_squeeze %dma_start3A_526 : memref<1x128xf32, #tpu.memory_space<vmem>> -> memref<128xf32, #tpu.memory_space<vmem>>
      %dma_start3A_528 = arith.constant 0 : i32
      %dma_start3A_529 = tpu.memref_slice %arg5[%scan3A_142, %dma_start3A_524, %dma_start3A_528] : memref<26x4x128xi32, #tpu.memory_space<vmem>> -> memref<1x1x128xi32, #tpu.memory_space<vmem>>
      %dma_start3A_530 = tpu.memref_squeeze %dma_start3A_529 : memref<1x1x128xi32, #tpu.memory_space<vmem>> -> memref<128xi32, #tpu.memory_space<vmem>>
      %dma_start3A_531 = arith.constant 0 : i32
      %dma_start3A_532 = tpu.memref_slice %arg3[%dma_start3A_531] : memref<2600000xf32, #tpu.memory_space<hbm>> -> memref<2600000xf32, #tpu.memory_space<hbm>>
      tpu.enqueue_indirect_dma source(%dma_start3A_532 : memref<2600000xf32, #tpu.memory_space<hbm>>) target(%dma_start3A_527 : memref<128xf32, #tpu.memory_space<vmem>>) offsets(%dma_start3A_530 : memref<128xi32, #tpu.memory_space<vmem>>) semaphore(%arg8 : memref<!tpu.dma_semaphore, #tpu.memory_space<semaphore_mem>>)
      %scan3A_533 = arith.constant 0 : i32
      scf.yield %scan3A_533 : i32
    }
    %scan3A_8 = arith.constant 26 : i32
    %broadcast_in_dim3A = arith.constant 0.000000e+00 : f32
    %broadcast_in_dim3A_9 = vector.broadcast %broadcast_in_dim3A : f32 to vector<16xf32>
    %swap3A = arith.constant 0 : index
    %swap3A_10 = tpu.vector_load %arg7[%swap3A] {strides = array<i32>} : memref<512xf32, #tpu.memory_space<vmem>>, vector<16xf32>,
    tpu.vector_store %arg7[%swap3A], %broadcast_in_dim3A_9 {strides = array<i32>} : memref<512xf32, #tpu.memory_space<vmem>>, vector<16xf32>,
    %broadcast_in_dim3A_11 = arith.constant 0.000000e+00 : f32
    %broadcast_in_dim3A_12 = vector.broadcast %broadcast_in_dim3A_11 : f32 to vector<16xf32>
    %swap3A_13 = arith.constant 16 : index
    %swap3A_14 = tpu.vector_load %arg7[%swap3A_13] {strides = array<i32>} : memref<512xf32, #tpu.memory_space<vmem>>, vector<16xf32>,
    tpu.vector_store %arg7[%swap3A_13], %broadcast_in_dim3A_12 {strides = array<i32>} : memref<512xf32, #tpu.memory_space<vmem>>, vector<16xf32>,
    %broadcast_in_dim3A_15 = arith.constant 0.000000e+00 : f32
    %broadcast_in_dim3A_16 = vector.broadcast %broadcast_in_dim3A_15 : f32 to vector<16xf32>
    %swap3A_17 = arith.constant 32 : index
    %swap3A_18 = tpu.vector_load %arg7[%swap3A_17] {strides = array<i32>} : memref<512xf32, #tpu.memory_space<vmem>>, vector<16xf32>,
    tpu.vector_store %arg7[%swap3A_17], %broadcast_in_dim3A_16 {strides = array<i32>} : memref<512xf32, #tpu.memory_space<vmem>>, vector<16xf32>,
    %broadcast_in_dim3A_19 = arith.constant 0.000000e+00 : f32
    %broadcast_in_dim3A_20 = vector.broadcast %broadcast_in_dim3A_19 : f32 to vector<16xf32>
    %swap3A_21 = arith.constant 48 : index
    %swap3A_22 = tpu.vector_load %arg7[%swap3A_21] {strides = array<i32>} : memref<512xf32, #tpu.memory_space<vmem>>, vector<16xf32>,
    tpu.vector_store %arg7[%swap3A_21], %broadcast_in_dim3A_20 {strides = array<i32>} : memref<512xf32, #tpu.memory_space<vmem>>, vector<16xf32>,
    %broadcast_in_dim3A_23 = arith.constant 0.000000e+00 : f32
    %broadcast_in_dim3A_24 = vector.broadcast %broadcast_in_dim3A_23 : f32 to vector<16xf32>
    %swap3A_25 = arith.constant 64 : index
    %swap3A_26 = tpu.vector_load %arg7[%swap3A_25] {strides = array<i32>} : memref<512xf32, #tpu.memory_space<vmem>>, vector<16xf32>,
    tpu.vector_store %arg7[%swap3A_25], %broadcast_in_dim3A_24 {strides = array<i32>} : memref<512xf32, #tpu.memory_space<vmem>>, vector<16xf32>,
    %broadcast_in_dim3A_27 = arith.constant 0.000000e+00 : f32
    %broadcast_in_dim3A_28 = vector.broadcast %broadcast_in_dim3A_27 : f32 to vector<16xf32>
    %swap3A_29 = arith.constant 80 : index
    %swap3A_30 = tpu.vector_load %arg7[%swap3A_29] {strides = array<i32>} : memref<512xf32, #tpu.memory_space<vmem>>, vector<16xf32>,
    tpu.vector_store %arg7[%swap3A_29], %broadcast_in_dim3A_28 {strides = array<i32>} : memref<512xf32, #tpu.memory_space<vmem>>, vector<16xf32>,
    %broadcast_in_dim3A_31 = arith.constant 0.000000e+00 : f32
    %broadcast_in_dim3A_32 = vector.broadcast %broadcast_in_dim3A_31 : f32 to vector<16xf32>
    %swap3A_33 = arith.constant 96 : index
    %swap3A_34 = tpu.vector_load %arg7[%swap3A_33] {strides = array<i32>} : memref<512xf32, #tpu.memory_space<vmem>>, vector<16xf32>,
    tpu.vector_store %arg7[%swap3A_33], %broadcast_in_dim3A_32 {strides = array<i32>} : memref<512xf32, #tpu.memory_space<vmem>>, vector<16xf32>,
    %broadcast_in_dim3A_35 = arith.constant 0.000000e+00 : f32
    %broadcast_in_dim3A_36 = vector.broadcast %broadcast_in_dim3A_35 : f32 to vector<16xf32>
    %swap3A_37 = arith.constant 112 : index
    %swap3A_38 = tpu.vector_load %arg7[%swap3A_37] {strides = array<i32>} : memref<512xf32, #tpu.memory_space<vmem>>, vector<16xf32>,
    tpu.vector_store %arg7[%swap3A_37], %broadcast_in_dim3A_36 {strides = array<i32>} : memref<512xf32, #tpu.memory_space<vmem>>, vector<16xf32>,
    %broadcast_in_dim3A_39 = arith.constant 0.000000e+00 : f32
    %broadcast_in_dim3A_40 = vector.broadcast %broadcast_in_dim3A_39 : f32 to vector<16xf32>
    %swap3A_41 = arith.constant 128 : index
    %swap3A_42 = tpu.vector_load %arg7[%swap3A_41] {strides = array<i32>} : memref<512xf32, #tpu.memory_space<vmem>>, vector<16xf32>,
    tpu.vector_store %arg7[%swap3A_41], %broadcast_in_dim3A_40 {strides = array<i32>} : memref<512xf32, #tpu.memory_space<vmem>>, vector<16xf32>,
    %broadcast_in_dim3A_43 = arith.constant 0.000000e+00 : f32
    %broadcast_in_dim3A_44 = vector.broadcast %broadcast_in_dim3A_43 : f32 to vector<16xf32>
    %swap3A_45 = arith.constant 144 : index
    %swap3A_46 = tpu.vector_load %arg7[%swap3A_45] {strides = array<i32>} : memref<512xf32, #tpu.memory_space<vmem>>, vector<16xf32>,
    tpu.vector_store %arg7[%swap3A_45], %broadcast_in_dim3A_44 {strides = array<i32>} : memref<512xf32, #tpu.memory_space<vmem>>, vector<16xf32>,
    %broadcast_in_dim3A_47 = arith.constant 0.000000e+00 : f32
    %broadcast_in_dim3A_48 = vector.broadcast %broadcast_in_dim3A_47 : f32 to vector<16xf32>
    %swap3A_49 = arith.constant 160 : index
    %swap3A_50 = tpu.vector_load %arg7[%swap3A_49] {strides = array<i32>} : memref<512xf32, #tpu.memory_space<vmem>>, vector<16xf32>,
    tpu.vector_store %arg7[%swap3A_49], %broadcast_in_dim3A_48 {strides = array<i32>} : memref<512xf32, #tpu.memory_space<vmem>>, vector<16xf32>,
    %broadcast_in_dim3A_51 = arith.constant 0.000000e+00 : f32
    %broadcast_in_dim3A_52 = vector.broadcast %broadcast_in_dim3A_51 : f32 to vector<16xf32>
    %swap3A_53 = arith.constant 176 : index
    %swap3A_54 = tpu.vector_load %arg7[%swap3A_53] {strides = array<i32>} : memref<512xf32, #tpu.memory_space<vmem>>, vector<16xf32>,
    tpu.vector_store %arg7[%swap3A_53], %broadcast_in_dim3A_52 {strides = array<i32>} : memref<512xf32, #tpu.memory_space<vmem>>, vector<16xf32>,
    %broadcast_in_dim3A_55 = arith.constant 0.000000e+00 : f32
    %broadcast_in_dim3A_56 = vector.broadcast %broadcast_in_dim3A_55 : f32 to vector<16xf32>
    %swap3A_57 = arith.constant 192 : index
    %swap3A_58 = tpu.vector_load %arg7[%swap3A_57] {strides = array<i32>} : memref<512xf32, #tpu.memory_space<vmem>>, vector<16xf32>,
    tpu.vector_store %arg7[%swap3A_57], %broadcast_in_dim3A_56 {strides = array<i32>} : memref<512xf32, #tpu.memory_space<vmem>>, vector<16xf32>,
    %broadcast_in_dim3A_59 = arith.constant 0.000000e+00 : f32
    %broadcast_in_dim3A_60 = vector.broadcast %broadcast_in_dim3A_59 : f32 to vector<16xf32>
    %swap3A_61 = arith.constant 208 : index
    %swap3A_62 = tpu.vector_load %arg7[%swap3A_61] {strides = array<i32>} : memref<512xf32, #tpu.memory_space<vmem>>, vector<16xf32>,
    tpu.vector_store %arg7[%swap3A_61], %broadcast_in_dim3A_60 {strides = array<i32>} : memref<512xf32, #tpu.memory_space<vmem>>, vector<16xf32>,
    %broadcast_in_dim3A_63 = arith.constant 0.000000e+00 : f32
    %broadcast_in_dim3A_64 = vector.broadcast %broadcast_in_dim3A_63 : f32 to vector<16xf32>
    %swap3A_65 = arith.constant 224 : index
    %swap3A_66 = tpu.vector_load %arg7[%swap3A_65] {strides = array<i32>} : memref<512xf32, #tpu.memory_space<vmem>>, vector<16xf32>,
    tpu.vector_store %arg7[%swap3A_65], %broadcast_in_dim3A_64 {strides = array<i32>} : memref<512xf32, #tpu.memory_space<vmem>>, vector<16xf32>,
    %broadcast_in_dim3A_67 = arith.constant 0.000000e+00 : f32
    %broadcast_in_dim3A_68 = vector.broadcast %broadcast_in_dim3A_67 : f32 to vector<16xf32>
    %swap3A_69 = arith.constant 240 : index
    %swap3A_70 = tpu.vector_load %arg7[%swap3A_69] {strides = array<i32>} : memref<512xf32, #tpu.memory_space<vmem>>, vector<16xf32>,
    tpu.vector_store %arg7[%swap3A_69], %broadcast_in_dim3A_68 {strides = array<i32>} : memref<512xf32, #tpu.memory_space<vmem>>, vector<16xf32>,
    %broadcast_in_dim3A_71 = arith.constant 0.000000e+00 : f32
    %broadcast_in_dim3A_72 = vector.broadcast %broadcast_in_dim3A_71 : f32 to vector<16xf32>
    %swap3A_73 = arith.constant 256 : index
    %swap3A_74 = tpu.vector_load %arg7[%swap3A_73] {strides = array<i32>} : memref<512xf32, #tpu.memory_space<vmem>>, vector<16xf32>,
    tpu.vector_store %arg7[%swap3A_73], %broadcast_in_dim3A_72 {strides = array<i32>} : memref<512xf32, #tpu.memory_space<vmem>>, vector<16xf32>,
    %broadcast_in_dim3A_75 = arith.constant 0.000000e+00 : f32
    %broadcast_in_dim3A_76 = vector.broadcast %broadcast_in_dim3A_75 : f32 to vector<16xf32>
    %swap3A_77 = arith.constant 272 : index
    %swap3A_78 = tpu.vector_load %arg7[%swap3A_77] {strides = array<i32>} : memref<512xf32, #tpu.memory_space<vmem>>, vector<16xf32>,
    tpu.vector_store %arg7[%swap3A_77], %broadcast_in_dim3A_76 {strides = array<i32>} : memref<512xf32, #tpu.memory_space<vmem>>, vector<16xf32>,
    %broadcast_in_dim3A_79 = arith.constant 0.000000e+00 : f32
    %broadcast_in_dim3A_80 = vector.broadcast %broadcast_in_dim3A_79 : f32 to vector<16xf32>
    %swap3A_81 = arith.constant 288 : index
    %swap3A_82 = tpu.vector_load %arg7[%swap3A_81] {strides = array<i32>} : memref<512xf32, #tpu.memory_space<vmem>>, vector<16xf32>,
    tpu.vector_store %arg7[%swap3A_81], %broadcast_in_dim3A_80 {strides = array<i32>} : memref<512xf32, #tpu.memory_space<vmem>>, vector<16xf32>,
    %broadcast_in_dim3A_83 = arith.constant 0.000000e+00 : f32
    %broadcast_in_dim3A_84 = vector.broadcast %broadcast_in_dim3A_83 : f32 to vector<16xf32>
    %swap3A_85 = arith.constant 304 : index
    %swap3A_86 = tpu.vector_load %arg7[%swap3A_85] {strides = array<i32>} : memref<512xf32, #tpu.memory_space<vmem>>, vector<16xf32>,
    tpu.vector_store %arg7[%swap3A_85], %broadcast_in_dim3A_84 {strides = array<i32>} : memref<512xf32, #tpu.memory_space<vmem>>, vector<16xf32>,
    %broadcast_in_dim3A_87 = arith.constant 0.000000e+00 : f32
    %broadcast_in_dim3A_88 = vector.broadcast %broadcast_in_dim3A_87 : f32 to vector<16xf32>
    %swap3A_89 = arith.constant 320 : index
    %swap3A_90 = tpu.vector_load %arg7[%swap3A_89] {strides = array<i32>} : memref<512xf32, #tpu.memory_space<vmem>>, vector<16xf32>,
    tpu.vector_store %arg7[%swap3A_89], %broadcast_in_dim3A_88 {strides = array<i32>} : memref<512xf32, #tpu.memory_space<vmem>>, vector<16xf32>,
    %broadcast_in_dim3A_91 = arith.constant 0.000000e+00 : f32
    %broadcast_in_dim3A_92 = vector.broadcast %broadcast_in_dim3A_91 : f32 to vector<16xf32>
    %swap3A_93 = arith.constant 336 : index
    %swap3A_94 = tpu.vector_load %arg7[%swap3A_93] {strides = array<i32>} : memref<512xf32, #tpu.memory_space<vmem>>, vector<16xf32>,
    tpu.vector_store %arg7[%swap3A_93], %broadcast_in_dim3A_92 {strides = array<i32>} : memref<512xf32, #tpu.memory_space<vmem>>, vector<16xf32>,
    %broadcast_in_dim3A_95 = arith.constant 0.000000e+00 : f32
    %broadcast_in_dim3A_96 = vector.broadcast %broadcast_in_dim3A_95 : f32 to vector<16xf32>
    %swap3A_97 = arith.constant 352 : index
    %swap3A_98 = tpu.vector_load %arg7[%swap3A_97] {strides = array<i32>} : memref<512xf32, #tpu.memory_space<vmem>>, vector<16xf32>,
    tpu.vector_store %arg7[%swap3A_97], %broadcast_in_dim3A_96 {strides = array<i32>} : memref<512xf32, #tpu.memory_space<vmem>>, vector<16xf32>,
    %broadcast_in_dim3A_99 = arith.constant 0.000000e+00 : f32
    %broadcast_in_dim3A_100 = vector.broadcast %broadcast_in_dim3A_99 : f32 to vector<16xf32>
    %swap3A_101 = arith.constant 368 : index
    %swap3A_102 = tpu.vector_load %arg7[%swap3A_101] {strides = array<i32>} : memref<512xf32, #tpu.memory_space<vmem>>, vector<16xf32>,
    tpu.vector_store %arg7[%swap3A_101], %broadcast_in_dim3A_100 {strides = array<i32>} : memref<512xf32, #tpu.memory_space<vmem>>, vector<16xf32>,
    %broadcast_in_dim3A_103 = arith.constant 0.000000e+00 : f32
    %broadcast_in_dim3A_104 = vector.broadcast %broadcast_in_dim3A_103 : f32 to vector<16xf32>
    %swap3A_105 = arith.constant 384 : index
    %swap3A_106 = tpu.vector_load %arg7[%swap3A_105] {strides = array<i32>} : memref<512xf32, #tpu.memory_space<vmem>>, vector<16xf32>,
    tpu.vector_store %arg7[%swap3A_105], %broadcast_in_dim3A_104 {strides = array<i32>} : memref<512xf32, #tpu.memory_space<vmem>>, vector<16xf32>,
    %broadcast_in_dim3A_107 = arith.constant 0.000000e+00 : f32
    %broadcast_in_dim3A_108 = vector.broadcast %broadcast_in_dim3A_107 : f32 to vector<16xf32>
    %swap3A_109 = arith.constant 400 : index
    %swap3A_110 = tpu.vector_load %arg7[%swap3A_109] {strides = array<i32>} : memref<512xf32, #tpu.memory_space<vmem>>, vector<16xf32>,
    tpu.vector_store %arg7[%swap3A_109], %broadcast_in_dim3A_108 {strides = array<i32>} : memref<512xf32, #tpu.memory_space<vmem>>, vector<16xf32>,
    %broadcast_in_dim3A_111 = arith.constant 0.000000e+00 : f32
    %broadcast_in_dim3A_112 = vector.broadcast %broadcast_in_dim3A_111 : f32 to vector<16xf32>
    %swap3A_113 = arith.constant 416 : index
    %swap3A_114 = tpu.vector_load %arg7[%swap3A_113] {strides = array<i32>} : memref<512xf32, #tpu.memory_space<vmem>>, vector<16xf32>,
    tpu.vector_store %arg7[%swap3A_113], %broadcast_in_dim3A_112 {strides = array<i32>} : memref<512xf32, #tpu.memory_space<vmem>>, vector<16xf32>,
    %broadcast_in_dim3A_115 = arith.constant 0.000000e+00 : f32
    %broadcast_in_dim3A_116 = vector.broadcast %broadcast_in_dim3A_115 : f32 to vector<16xf32>
    %swap3A_117 = arith.constant 432 : index
    %swap3A_118 = tpu.vector_load %arg7[%swap3A_117] {strides = array<i32>} : memref<512xf32, #tpu.memory_space<vmem>>, vector<16xf32>,
    tpu.vector_store %arg7[%swap3A_117], %broadcast_in_dim3A_116 {strides = array<i32>} : memref<512xf32, #tpu.memory_space<vmem>>, vector<16xf32>,
    %broadcast_in_dim3A_119 = arith.constant 0.000000e+00 : f32
    %broadcast_in_dim3A_120 = vector.broadcast %broadcast_in_dim3A_119 : f32 to vector<16xf32>
    %swap3A_121 = arith.constant 448 : index
    %swap3A_122 = tpu.vector_load %arg7[%swap3A_121] {strides = array<i32>} : memref<512xf32, #tpu.memory_space<vmem>>, vector<16xf32>,
    tpu.vector_store %arg7[%swap3A_121], %broadcast_in_dim3A_120 {strides = array<i32>} : memref<512xf32, #tpu.memory_space<vmem>>, vector<16xf32>,
    %broadcast_in_dim3A_123 = arith.constant 0.000000e+00 : f32
    %broadcast_in_dim3A_124 = vector.broadcast %broadcast_in_dim3A_123 : f32 to vector<16xf32>
    %swap3A_125 = arith.constant 464 : index
    %swap3A_126 = tpu.vector_load %arg7[%swap3A_125] {strides = array<i32>} : memref<512xf32, #tpu.memory_space<vmem>>, vector<16xf32>,
    tpu.vector_store %arg7[%swap3A_125], %broadcast_in_dim3A_124 {strides = array<i32>} : memref<512xf32, #tpu.memory_space<vmem>>, vector<16xf32>,
    %broadcast_in_dim3A_127 = arith.constant 0.000000e+00 : f32
    %broadcast_in_dim3A_128 = vector.broadcast %broadcast_in_dim3A_127 : f32 to vector<16xf32>
    %swap3A_129 = arith.constant 480 : index
    %swap3A_130 = tpu.vector_load %arg7[%swap3A_129] {strides = array<i32>} : memref<512xf32, #tpu.memory_space<vmem>>, vector<16xf32>,
    tpu.vector_store %arg7[%swap3A_129], %broadcast_in_dim3A_128 {strides = array<i32>} : memref<512xf32, #tpu.memory_space<vmem>>, vector<16xf32>,
    %broadcast_in_dim3A_131 = arith.constant 0.000000e+00 : f32
    %broadcast_in_dim3A_132 = vector.broadcast %broadcast_in_dim3A_131 : f32 to vector<16xf32>
    %swap3A_133 = arith.constant 496 : index
    %swap3A_134 = tpu.vector_load %arg7[%swap3A_133] {strides = array<i32>} : memref<512xf32, #tpu.memory_space<vmem>>, vector<16xf32>,
    tpu.vector_store %arg7[%swap3A_133], %broadcast_in_dim3A_132 {strides = array<i32>} : memref<512xf32, #tpu.memory_space<vmem>>, vector<16xf32>,
    %scan3A_135 = arith.constant 0 : i32
    %scan3A_136 = arith.constant 0 : i32
    %scan3A_137 = arith.constant 26 : i32
    %scan3A_138 = arith.addi %scan3A_136, %scan3A_137 : i32
    %scan3A_139 = arith.constant 1 : i32
    %scan3A_140 = scf.for %scan3A_142 = %scan3A_136 to %scan3A_138 step %scan3A_139 iter_args(%scan3A_143 = %scan3A_135) -> (i32)  : i32 {
      %dma_wait3A = arith.constant 0 : i32
      %dma_wait3A_144 = arith.constant 0 : i32
      %dma_wait3A_145 = tpu.memref_slice %arg6[%scan3A_142, %dma_wait3A_144] : memref<26x512xf32, #tpu.memory_space<vmem>> -> memref<1x128xf32, #tpu.memory_space<vmem>>
      %dma_wait3A_146 = tpu.memref_squeeze %dma_wait3A_145 : memref<1x128xf32, #tpu.memory_space<vmem>> -> memref<128xf32, #tpu.memory_space<vmem>>
      %dma_wait3A_147 = arith.constant 0 : i32
      %dma_wait3A_148 = tpu.memref_slice %arg5[%scan3A_142, %dma_wait3A, %dma_wait3A_147] : memref<26x4x128xi32, #tpu.memory_space<vmem>> -> memref<1x1x128xi32, #tpu.memory_space<vmem>>
      %dma_wait3A_149 = tpu.memref_squeeze %dma_wait3A_148 : memref<1x1x128xi32, #tpu.memory_space<vmem>> -> memref<128xi32, #tpu.memory_space<vmem>>
      %dma_wait3A_150 = arith.constant 0 : i32
      %dma_wait3A_151 = tpu.memref_slice %arg3[%dma_wait3A_150] : memref<2600000xf32, #tpu.memory_space<hbm>> -> memref<2600000xf32, #tpu.memory_space<hbm>>
      tpu.wait_indirect_dma semaphore(%arg8 : memref<!tpu.dma_semaphore, #tpu.memory_space<semaphore_mem>>) src(%dma_wait3A_151 : memref<2600000xf32, #tpu.memory_space<hbm>>) dst(%dma_wait3A_146 : memref<128xf32, #tpu.memory_space<vmem>>)
      %dma_wait3A_152 = arith.constant 1 : i32
      %dma_wait3A_153 = arith.constant 128 : i32
      %dma_wait3A_154 = tpu.memref_slice %arg6[%scan3A_142, %dma_wait3A_153] : memref<26x512xf32, #tpu.memory_space<vmem>> -> memref<1x128xf32, #tpu.memory_space<vmem>>
      %dma_wait3A_155 = tpu.memref_squeeze %dma_wait3A_154 : memref<1x128xf32, #tpu.memory_space<vmem>> -> memref<128xf32, #tpu.memory_space<vmem>>
      %dma_wait3A_156 = arith.constant 0 : i32
      %dma_wait3A_157 = tpu.memref_slice %arg5[%scan3A_142, %dma_wait3A_152, %dma_wait3A_156] : memref<26x4x128xi32, #tpu.memory_space<vmem>> -> memref<1x1x128xi32, #tpu.memory_space<vmem>>
      %dma_wait3A_158 = tpu.memref_squeeze %dma_wait3A_157 : memref<1x1x128xi32, #tpu.memory_space<vmem>> -> memref<128xi32, #tpu.memory_space<vmem>>
      %dma_wait3A_159 = arith.constant 0 : i32
      %dma_wait3A_160 = tpu.memref_slice %arg3[%dma_wait3A_159] : memref<2600000xf32, #tpu.memory_space<hbm>> -> memref<2600000xf32, #tpu.memory_space<hbm>>
      tpu.wait_indirect_dma semaphore(%arg8 : memref<!tpu.dma_semaphore, #tpu.memory_space<semaphore_mem>>) src(%dma_wait3A_160 : memref<2600000xf32, #tpu.memory_space<hbm>>) dst(%dma_wait3A_155 : memref<128xf32, #tpu.memory_space<vmem>>)
      %dma_wait3A_161 = arith.constant 2 : i32
      %dma_wait3A_162 = arith.constant 256 : i32
      %dma_wait3A_163 = tpu.memref_slice %arg6[%scan3A_142, %dma_wait3A_162] : memref<26x512xf32, #tpu.memory_space<vmem>> -> memref<1x128xf32, #tpu.memory_space<vmem>>
      %dma_wait3A_164 = tpu.memref_squeeze %dma_wait3A_163 : memref<1x128xf32, #tpu.memory_space<vmem>> -> memref<128xf32, #tpu.memory_space<vmem>>
      %dma_wait3A_165 = arith.constant 0 : i32
      %dma_wait3A_166 = tpu.memref_slice %arg5[%scan3A_142, %dma_wait3A_161, %dma_wait3A_165] : memref<26x4x128xi32, #tpu.memory_space<vmem>> -> memref<1x1x128xi32, #tpu.memory_space<vmem>>
      %dma_wait3A_167 = tpu.memref_squeeze %dma_wait3A_166 : memref<1x1x128xi32, #tpu.memory_space<vmem>> -> memref<128xi32, #tpu.memory_space<vmem>>
      %dma_wait3A_168 = arith.constant 0 : i32
      %dma_wait3A_169 = tpu.memref_slice %arg3[%dma_wait3A_168] : memref<2600000xf32, #tpu.memory_space<hbm>> -> memref<2600000xf32, #tpu.memory_space<hbm>>
      tpu.wait_indirect_dma semaphore(%arg8 : memref<!tpu.dma_semaphore, #tpu.memory_space<semaphore_mem>>) src(%dma_wait3A_169 : memref<2600000xf32, #tpu.memory_space<hbm>>) dst(%dma_wait3A_164 : memref<128xf32, #tpu.memory_space<vmem>>)
      %dma_wait3A_170 = arith.constant 3 : i32
      %dma_wait3A_171 = arith.constant 384 : i32
      %dma_wait3A_172 = tpu.memref_slice %arg6[%scan3A_142, %dma_wait3A_171] : memref<26x512xf32, #tpu.memory_space<vmem>> -> memref<1x128xf32, #tpu.memory_space<vmem>>
      %dma_wait3A_173 = tpu.memref_squeeze %dma_wait3A_172 : memref<1x128xf32, #tpu.memory_space<vmem>> -> memref<128xf32, #tpu.memory_space<vmem>>
      %dma_wait3A_174 = arith.constant 0 : i32
      %dma_wait3A_175 = tpu.memref_slice %arg5[%scan3A_142, %dma_wait3A_170, %dma_wait3A_174] : memref<26x4x128xi32, #tpu.memory_space<vmem>> -> memref<1x1x128xi32, #tpu.memory_space<vmem>>
      %dma_wait3A_176 = tpu.memref_squeeze %dma_wait3A_175 : memref<1x1x128xi32, #tpu.memory_space<vmem>> -> memref<128xi32, #tpu.memory_space<vmem>>
      %dma_wait3A_177 = arith.constant 0 : i32
      %dma_wait3A_178 = tpu.memref_slice %arg3[%dma_wait3A_177] : memref<2600000xf32, #tpu.memory_space<hbm>> -> memref<2600000xf32, #tpu.memory_space<hbm>>
      tpu.wait_indirect_dma semaphore(%arg8 : memref<!tpu.dma_semaphore, #tpu.memory_space<semaphore_mem>>) src(%dma_wait3A_178 : memref<2600000xf32, #tpu.memory_space<hbm>>) dst(%dma_wait3A_173 : memref<128xf32, #tpu.memory_space<vmem>>)
      %get3A = arith.constant 0 : index
      %get3A_179 = tpu.vector_load %arg7[%get3A] {strides = array<i32>} : memref<512xf32, #tpu.memory_space<vmem>>, vector<16xf32>,
      %get3A_180 = arith.index_cast %scan3A_142 : i32 to index
      %get3A_181 = arith.constant 0 : index
      %get3A_182 = tpu.vector_load %arg6[%get3A_180, %get3A_181] {strides = array<i32>} : memref<26x512xf32, #tpu.memory_space<vmem>>, vector<16xf32>,
      %add3A_183 = arith.addf %get3A_179, %get3A_182 : vector<16xf32>
      %swap3A_184 = arith.constant 0 : index
      %swap3A_185 = tpu.vector_load %arg7[%swap3A_184] {strides = array<i32>} : memref<512xf32, #tpu.memory_space<vmem>>, vector<16xf32>,
      tpu.vector_store %arg7[%swap3A_184], %add3A_183 {strides = array<i32>} : memref<512xf32, #tpu.memory_space<vmem>>, vector<16xf32>,
      %get3A_186 = arith.constant 16 : index
      %get3A_187 = tpu.vector_load %arg7[%get3A_186] {strides = array<i32>} : memref<512xf32, #tpu.memory_space<vmem>>, vector<16xf32>,
      %get3A_188 = arith.index_cast %scan3A_142 : i32 to index
      %get3A_189 = arith.constant 16 : index
      %get3A_190 = tpu.vector_load %arg6[%get3A_188, %get3A_189] {strides = array<i32>} : memref<26x512xf32, #tpu.memory_space<vmem>>, vector<16xf32>,
      %add3A_191 = arith.addf %get3A_187, %get3A_190 : vector<16xf32>
      %swap3A_192 = arith.constant 16 : index
      %swap3A_193 = tpu.vector_load %arg7[%swap3A_192] {strides = array<i32>} : memref<512xf32, #tpu.memory_space<vmem>>, vector<16xf32>,
      tpu.vector_store %arg7[%swap3A_192], %add3A_191 {strides = array<i32>} : memref<512xf32, #tpu.memory_space<vmem>>, vector<16xf32>,
      %get3A_194 = arith.constant 32 : index
      %get3A_195 = tpu.vector_load %arg7[%get3A_194] {strides = array<i32>} : memref<512xf32, #tpu.memory_space<vmem>>, vector<16xf32>,
      %get3A_196 = arith.index_cast %scan3A_142 : i32 to index
      %get3A_197 = arith.constant 32 : index
      %get3A_198 = tpu.vector_load %arg6[%get3A_196, %get3A_197] {strides = array<i32>} : memref<26x512xf32, #tpu.memory_space<vmem>>, vector<16xf32>,
      %add3A_199 = arith.addf %get3A_195, %get3A_198 : vector<16xf32>
      %swap3A_200 = arith.constant 32 : index
      %swap3A_201 = tpu.vector_load %arg7[%swap3A_200] {strides = array<i32>} : memref<512xf32, #tpu.memory_space<vmem>>, vector<16xf32>,
      tpu.vector_store %arg7[%swap3A_200], %add3A_199 {strides = array<i32>} : memref<512xf32, #tpu.memory_space<vmem>>, vector<16xf32>,
      %get3A_202 = arith.constant 48 : index
      %get3A_203 = tpu.vector_load %arg7[%get3A_202] {strides = array<i32>} : memref<512xf32, #tpu.memory_space<vmem>>, vector<16xf32>,
      %get3A_204 = arith.index_cast %scan3A_142 : i32 to index
      %get3A_205 = arith.constant 48 : index
      %get3A_206 = tpu.vector_load %arg6[%get3A_204, %get3A_205] {strides = array<i32>} : memref<26x512xf32, #tpu.memory_space<vmem>>, vector<16xf32>,
      %add3A_207 = arith.addf %get3A_203, %get3A_206 : vector<16xf32>
      %swap3A_208 = arith.constant 48 : index
      %swap3A_209 = tpu.vector_load %arg7[%swap3A_208] {strides = array<i32>} : memref<512xf32, #tpu.memory_space<vmem>>, vector<16xf32>,
      tpu.vector_store %arg7[%swap3A_208], %add3A_207 {strides = array<i32>} : memref<512xf32, #tpu.memory_space<vmem>>, vector<16xf32>,
      %get3A_210 = arith.constant 64 : index
      %get3A_211 = tpu.vector_load %arg7[%get3A_210] {strides = array<i32>} : memref<512xf32, #tpu.memory_space<vmem>>, vector<16xf32>,
      %get3A_212 = arith.index_cast %scan3A_142 : i32 to index
      %get3A_213 = arith.constant 64 : index
      %get3A_214 = tpu.vector_load %arg6[%get3A_212, %get3A_213] {strides = array<i32>} : memref<26x512xf32, #tpu.memory_space<vmem>>, vector<16xf32>,
      %add3A_215 = arith.addf %get3A_211, %get3A_214 : vector<16xf32>
      %swap3A_216 = arith.constant 64 : index
      %swap3A_217 = tpu.vector_load %arg7[%swap3A_216] {strides = array<i32>} : memref<512xf32, #tpu.memory_space<vmem>>, vector<16xf32>,
      tpu.vector_store %arg7[%swap3A_216], %add3A_215 {strides = array<i32>} : memref<512xf32, #tpu.memory_space<vmem>>, vector<16xf32>,
      %get3A_218 = arith.constant 80 : index
      %get3A_219 = tpu.vector_load %arg7[%get3A_218] {strides = array<i32>} : memref<512xf32, #tpu.memory_space<vmem>>, vector<16xf32>,
      %get3A_220 = arith.index_cast %scan3A_142 : i32 to index
      %get3A_221 = arith.constant 80 : index
      %get3A_222 = tpu.vector_load %arg6[%get3A_220, %get3A_221] {strides = array<i32>} : memref<26x512xf32, #tpu.memory_space<vmem>>, vector<16xf32>,
      %add3A_223 = arith.addf %get3A_219, %get3A_222 : vector<16xf32>
      %swap3A_224 = arith.constant 80 : index
      %swap3A_225 = tpu.vector_load %arg7[%swap3A_224] {strides = array<i32>} : memref<512xf32, #tpu.memory_space<vmem>>, vector<16xf32>,
      tpu.vector_store %arg7[%swap3A_224], %add3A_223 {strides = array<i32>} : memref<512xf32, #tpu.memory_space<vmem>>, vector<16xf32>,
      %get3A_226 = arith.constant 96 : index
      %get3A_227 = tpu.vector_load %arg7[%get3A_226] {strides = array<i32>} : memref<512xf32, #tpu.memory_space<vmem>>, vector<16xf32>,
      %get3A_228 = arith.index_cast %scan3A_142 : i32 to index
      %get3A_229 = arith.constant 96 : index
      %get3A_230 = tpu.vector_load %arg6[%get3A_228, %get3A_229] {strides = array<i32>} : memref<26x512xf32, #tpu.memory_space<vmem>>, vector<16xf32>,
      %add3A_231 = arith.addf %get3A_227, %get3A_230 : vector<16xf32>
      %swap3A_232 = arith.constant 96 : index
      %swap3A_233 = tpu.vector_load %arg7[%swap3A_232] {strides = array<i32>} : memref<512xf32, #tpu.memory_space<vmem>>, vector<16xf32>,
      tpu.vector_store %arg7[%swap3A_232], %add3A_231 {strides = array<i32>} : memref<512xf32, #tpu.memory_space<vmem>>, vector<16xf32>,
      %get3A_234 = arith.constant 112 : index
      %get3A_235 = tpu.vector_load %arg7[%get3A_234] {strides = array<i32>} : memref<512xf32, #tpu.memory_space<vmem>>, vector<16xf32>,
      %get3A_236 = arith.index_cast %scan3A_142 : i32 to index
      %get3A_237 = arith.constant 112 : index
      %get3A_238 = tpu.vector_load %arg6[%get3A_236, %get3A_237] {strides = array<i32>} : memref<26x512xf32, #tpu.memory_space<vmem>>, vector<16xf32>,
      %add3A_239 = arith.addf %get3A_235, %get3A_238 : vector<16xf32>
      %swap3A_240 = arith.constant 112 : index
      %swap3A_241 = tpu.vector_load %arg7[%swap3A_240] {strides = array<i32>} : memref<512xf32, #tpu.memory_space<vmem>>, vector<16xf32>,
      tpu.vector_store %arg7[%swap3A_240], %add3A_239 {strides = array<i32>} : memref<512xf32, #tpu.memory_space<vmem>>, vector<16xf32>,
      %get3A_242 = arith.constant 128 : index
      %get3A_243 = tpu.vector_load %arg7[%get3A_242] {strides = array<i32>} : memref<512xf32, #tpu.memory_space<vmem>>, vector<16xf32>,
      %get3A_244 = arith.index_cast %scan3A_142 : i32 to index
      %get3A_245 = arith.constant 128 : index
      %get3A_246 = tpu.vector_load %arg6[%get3A_244, %get3A_245] {strides = array<i32>} : memref<26x512xf32, #tpu.memory_space<vmem>>, vector<16xf32>,
      %add3A_247 = arith.addf %get3A_243, %get3A_246 : vector<16xf32>
      %swap3A_248 = arith.constant 128 : index
      %swap3A_249 = tpu.vector_load %arg7[%swap3A_248] {strides = array<i32>} : memref<512xf32, #tpu.memory_space<vmem>>, vector<16xf32>,
      tpu.vector_store %arg7[%swap3A_248], %add3A_247 {strides = array<i32>} : memref<512xf32, #tpu.memory_space<vmem>>, vector<16xf32>,
      %get3A_250 = arith.constant 144 : index
      %get3A_251 = tpu.vector_load %arg7[%get3A_250] {strides = array<i32>} : memref<512xf32, #tpu.memory_space<vmem>>, vector<16xf32>,
      %get3A_252 = arith.index_cast %scan3A_142 : i32 to index
      %get3A_253 = arith.constant 144 : index
      %get3A_254 = tpu.vector_load %arg6[%get3A_252, %get3A_253] {strides = array<i32>} : memref<26x512xf32, #tpu.memory_space<vmem>>, vector<16xf32>,
      %add3A_255 = arith.addf %get3A_251, %get3A_254 : vector<16xf32>
      %swap3A_256 = arith.constant 144 : index
      %swap3A_257 = tpu.vector_load %arg7[%swap3A_256] {strides = array<i32>} : memref<512xf32, #tpu.memory_space<vmem>>, vector<16xf32>,
      tpu.vector_store %arg7[%swap3A_256], %add3A_255 {strides = array<i32>} : memref<512xf32, #tpu.memory_space<vmem>>, vector<16xf32>,
      %get3A_258 = arith.constant 160 : index
      %get3A_259 = tpu.vector_load %arg7[%get3A_258] {strides = array<i32>} : memref<512xf32, #tpu.memory_space<vmem>>, vector<16xf32>,
      %get3A_260 = arith.index_cast %scan3A_142 : i32 to index
      %get3A_261 = arith.constant 160 : index
      %get3A_262 = tpu.vector_load %arg6[%get3A_260, %get3A_261] {strides = array<i32>} : memref<26x512xf32, #tpu.memory_space<vmem>>, vector<16xf32>,
      %add3A_263 = arith.addf %get3A_259, %get3A_262 : vector<16xf32>
      %swap3A_264 = arith.constant 160 : index
      %swap3A_265 = tpu.vector_load %arg7[%swap3A_264] {strides = array<i32>} : memref<512xf32, #tpu.memory_space<vmem>>, vector<16xf32>,
      tpu.vector_store %arg7[%swap3A_264], %add3A_263 {strides = array<i32>} : memref<512xf32, #tpu.memory_space<vmem>>, vector<16xf32>,
      %get3A_266 = arith.constant 176 : index
      %get3A_267 = tpu.vector_load %arg7[%get3A_266] {strides = array<i32>} : memref<512xf32, #tpu.memory_space<vmem>>, vector<16xf32>,
      %get3A_268 = arith.index_cast %scan3A_142 : i32 to index
      %get3A_269 = arith.constant 176 : index
      %get3A_270 = tpu.vector_load %arg6[%get3A_268, %get3A_269] {strides = array<i32>} : memref<26x512xf32, #tpu.memory_space<vmem>>, vector<16xf32>,
      %add3A_271 = arith.addf %get3A_267, %get3A_270 : vector<16xf32>
      %swap3A_272 = arith.constant 176 : index
      %swap3A_273 = tpu.vector_load %arg7[%swap3A_272] {strides = array<i32>} : memref<512xf32, #tpu.memory_space<vmem>>, vector<16xf32>,
      tpu.vector_store %arg7[%swap3A_272], %add3A_271 {strides = array<i32>} : memref<512xf32, #tpu.memory_space<vmem>>, vector<16xf32>,
      %get3A_274 = arith.constant 192 : index
      %get3A_275 = tpu.vector_load %arg7[%get3A_274] {strides = array<i32>} : memref<512xf32, #tpu.memory_space<vmem>>, vector<16xf32>,
      %get3A_276 = arith.index_cast %scan3A_142 : i32 to index
      %get3A_277 = arith.constant 192 : index
      %get3A_278 = tpu.vector_load %arg6[%get3A_276, %get3A_277] {strides = array<i32>} : memref<26x512xf32, #tpu.memory_space<vmem>>, vector<16xf32>,
      %add3A_279 = arith.addf %get3A_275, %get3A_278 : vector<16xf32>
      %swap3A_280 = arith.constant 192 : index
      %swap3A_281 = tpu.vector_load %arg7[%swap3A_280] {strides = array<i32>} : memref<512xf32, #tpu.memory_space<vmem>>, vector<16xf32>,
      tpu.vector_store %arg7[%swap3A_280], %add3A_279 {strides = array<i32>} : memref<512xf32, #tpu.memory_space<vmem>>, vector<16xf32>,
      %get3A_282 = arith.constant 208 : index
      %get3A_283 = tpu.vector_load %arg7[%get3A_282] {strides = array<i32>} : memref<512xf32, #tpu.memory_space<vmem>>, vector<16xf32>,
      %get3A_284 = arith.index_cast %scan3A_142 : i32 to index
      %get3A_285 = arith.constant 208 : index
      %get3A_286 = tpu.vector_load %arg6[%get3A_284, %get3A_285] {strides = array<i32>} : memref<26x512xf32, #tpu.memory_space<vmem>>, vector<16xf32>,
      %add3A_287 = arith.addf %get3A_283, %get3A_286 : vector<16xf32>
      %swap3A_288 = arith.constant 208 : index
      %swap3A_289 = tpu.vector_load %arg7[%swap3A_288] {strides = array<i32>} : memref<512xf32, #tpu.memory_space<vmem>>, vector<16xf32>,
      tpu.vector_store %arg7[%swap3A_288], %add3A_287 {strides = array<i32>} : memref<512xf32, #tpu.memory_space<vmem>>, vector<16xf32>,
      %get3A_290 = arith.constant 224 : index
      %get3A_291 = tpu.vector_load %arg7[%get3A_290] {strides = array<i32>} : memref<512xf32, #tpu.memory_space<vmem>>, vector<16xf32>,
      %get3A_292 = arith.index_cast %scan3A_142 : i32 to index
      %get3A_293 = arith.constant 224 : index
      %get3A_294 = tpu.vector_load %arg6[%get3A_292, %get3A_293] {strides = array<i32>} : memref<26x512xf32, #tpu.memory_space<vmem>>, vector<16xf32>,
      %add3A_295 = arith.addf %get3A_291, %get3A_294 : vector<16xf32>
      %swap3A_296 = arith.constant 224 : index
      %swap3A_297 = tpu.vector_load %arg7[%swap3A_296] {strides = array<i32>} : memref<512xf32, #tpu.memory_space<vmem>>, vector<16xf32>,
      tpu.vector_store %arg7[%swap3A_296], %add3A_295 {strides = array<i32>} : memref<512xf32, #tpu.memory_space<vmem>>, vector<16xf32>,
      %get3A_298 = arith.constant 240 : index
      %get3A_299 = tpu.vector_load %arg7[%get3A_298] {strides = array<i32>} : memref<512xf32, #tpu.memory_space<vmem>>, vector<16xf32>,
      %get3A_300 = arith.index_cast %scan3A_142 : i32 to index
      %get3A_301 = arith.constant 240 : index
      %get3A_302 = tpu.vector_load %arg6[%get3A_300, %get3A_301] {strides = array<i32>} : memref<26x512xf32, #tpu.memory_space<vmem>>, vector<16xf32>,
      %add3A_303 = arith.addf %get3A_299, %get3A_302 : vector<16xf32>
      %swap3A_304 = arith.constant 240 : index
      %swap3A_305 = tpu.vector_load %arg7[%swap3A_304] {strides = array<i32>} : memref<512xf32, #tpu.memory_space<vmem>>, vector<16xf32>,
      tpu.vector_store %arg7[%swap3A_304], %add3A_303 {strides = array<i32>} : memref<512xf32, #tpu.memory_space<vmem>>, vector<16xf32>,
      %get3A_306 = arith.constant 256 : index
      %get3A_307 = tpu.vector_load %arg7[%get3A_306] {strides = array<i32>} : memref<512xf32, #tpu.memory_space<vmem>>, vector<16xf32>,
      %get3A_308 = arith.index_cast %scan3A_142 : i32 to index
      %get3A_309 = arith.constant 256 : index
      %get3A_310 = tpu.vector_load %arg6[%get3A_308, %get3A_309] {strides = array<i32>} : memref<26x512xf32, #tpu.memory_space<vmem>>, vector<16xf32>,
      %add3A_311 = arith.addf %get3A_307, %get3A_310 : vector<16xf32>
      %swap3A_312 = arith.constant 256 : index
      %swap3A_313 = tpu.vector_load %arg7[%swap3A_312] {strides = array<i32>} : memref<512xf32, #tpu.memory_space<vmem>>, vector<16xf32>,
      tpu.vector_store %arg7[%swap3A_312], %add3A_311 {strides = array<i32>} : memref<512xf32, #tpu.memory_space<vmem>>, vector<16xf32>,
      %get3A_314 = arith.constant 272 : index
      %get3A_315 = tpu.vector_load %arg7[%get3A_314] {strides = array<i32>} : memref<512xf32, #tpu.memory_space<vmem>>, vector<16xf32>,
      %get3A_316 = arith.index_cast %scan3A_142 : i32 to index
      %get3A_317 = arith.constant 272 : index
      %get3A_318 = tpu.vector_load %arg6[%get3A_316, %get3A_317] {strides = array<i32>} : memref<26x512xf32, #tpu.memory_space<vmem>>, vector<16xf32>,
      %add3A_319 = arith.addf %get3A_315, %get3A_318 : vector<16xf32>
      %swap3A_320 = arith.constant 272 : index
      %swap3A_321 = tpu.vector_load %arg7[%swap3A_320] {strides = array<i32>} : memref<512xf32, #tpu.memory_space<vmem>>, vector<16xf32>,
      tpu.vector_store %arg7[%swap3A_320], %add3A_319 {strides = array<i32>} : memref<512xf32, #tpu.memory_space<vmem>>, vector<16xf32>,
      %get3A_322 = arith.constant 288 : index
      %get3A_323 = tpu.vector_load %arg7[%get3A_322] {strides = array<i32>} : memref<512xf32, #tpu.memory_space<vmem>>, vector<16xf32>,
      %get3A_324 = arith.index_cast %scan3A_142 : i32 to index
      %get3A_325 = arith.constant 288 : index
      %get3A_326 = tpu.vector_load %arg6[%get3A_324, %get3A_325] {strides = array<i32>} : memref<26x512xf32, #tpu.memory_space<vmem>>, vector<16xf32>,
      %add3A_327 = arith.addf %get3A_323, %get3A_326 : vector<16xf32>
      %swap3A_328 = arith.constant 288 : index
      %swap3A_329 = tpu.vector_load %arg7[%swap3A_328] {strides = array<i32>} : memref<512xf32, #tpu.memory_space<vmem>>, vector<16xf32>,
      tpu.vector_store %arg7[%swap3A_328], %add3A_327 {strides = array<i32>} : memref<512xf32, #tpu.memory_space<vmem>>, vector<16xf32>,
      %get3A_330 = arith.constant 304 : index
      %get3A_331 = tpu.vector_load %arg7[%get3A_330] {strides = array<i32>} : memref<512xf32, #tpu.memory_space<vmem>>, vector<16xf32>,
      %get3A_332 = arith.index_cast %scan3A_142 : i32 to index
      %get3A_333 = arith.constant 304 : index
      %get3A_334 = tpu.vector_load %arg6[%get3A_332, %get3A_333] {strides = array<i32>} : memref<26x512xf32, #tpu.memory_space<vmem>>, vector<16xf32>,
      %add3A_335 = arith.addf %get3A_331, %get3A_334 : vector<16xf32>
      %swap3A_336 = arith.constant 304 : index
      %swap3A_337 = tpu.vector_load %arg7[%swap3A_336] {strides = array<i32>} : memref<512xf32, #tpu.memory_space<vmem>>, vector<16xf32>,
      tpu.vector_store %arg7[%swap3A_336], %add3A_335 {strides = array<i32>} : memref<512xf32, #tpu.memory_space<vmem>>, vector<16xf32>,
      %get3A_338 = arith.constant 320 : index
      %get3A_339 = tpu.vector_load %arg7[%get3A_338] {strides = array<i32>} : memref<512xf32, #tpu.memory_space<vmem>>, vector<16xf32>,
      %get3A_340 = arith.index_cast %scan3A_142 : i32 to index
      %get3A_341 = arith.constant 320 : index
      %get3A_342 = tpu.vector_load %arg6[%get3A_340, %get3A_341] {strides = array<i32>} : memref<26x512xf32, #tpu.memory_space<vmem>>, vector<16xf32>,
      %add3A_343 = arith.addf %get3A_339, %get3A_342 : vector<16xf32>
      %swap3A_344 = arith.constant 320 : index
      %swap3A_345 = tpu.vector_load %arg7[%swap3A_344] {strides = array<i32>} : memref<512xf32, #tpu.memory_space<vmem>>, vector<16xf32>,
      tpu.vector_store %arg7[%swap3A_344], %add3A_343 {strides = array<i32>} : memref<512xf32, #tpu.memory_space<vmem>>, vector<16xf32>,
      %get3A_346 = arith.constant 336 : index
      %get3A_347 = tpu.vector_load %arg7[%get3A_346] {strides = array<i32>} : memref<512xf32, #tpu.memory_space<vmem>>, vector<16xf32>,
      %get3A_348 = arith.index_cast %scan3A_142 : i32 to index
      %get3A_349 = arith.constant 336 : index
      %get3A_350 = tpu.vector_load %arg6[%get3A_348, %get3A_349] {strides = array<i32>} : memref<26x512xf32, #tpu.memory_space<vmem>>, vector<16xf32>,
      %add3A_351 = arith.addf %get3A_347, %get3A_350 : vector<16xf32>
      %swap3A_352 = arith.constant 336 : index
      %swap3A_353 = tpu.vector_load %arg7[%swap3A_352] {strides = array<i32>} : memref<512xf32, #tpu.memory_space<vmem>>, vector<16xf32>,
      tpu.vector_store %arg7[%swap3A_352], %add3A_351 {strides = array<i32>} : memref<512xf32, #tpu.memory_space<vmem>>, vector<16xf32>,
      %get3A_354 = arith.constant 352 : index
      %get3A_355 = tpu.vector_load %arg7[%get3A_354] {strides = array<i32>} : memref<512xf32, #tpu.memory_space<vmem>>, vector<16xf32>,
      %get3A_356 = arith.index_cast %scan3A_142 : i32 to index
      %get3A_357 = arith.constant 352 : index
      %get3A_358 = tpu.vector_load %arg6[%get3A_356, %get3A_357] {strides = array<i32>} : memref<26x512xf32, #tpu.memory_space<vmem>>, vector<16xf32>,
      %add3A_359 = arith.addf %get3A_355, %get3A_358 : vector<16xf32>
      %swap3A_360 = arith.constant 352 : index
      %swap3A_361 = tpu.vector_load %arg7[%swap3A_360] {strides = array<i32>} : memref<512xf32, #tpu.memory_space<vmem>>, vector<16xf32>,
      tpu.vector_store %arg7[%swap3A_360], %add3A_359 {strides = array<i32>} : memref<512xf32, #tpu.memory_space<vmem>>, vector<16xf32>,
      %get3A_362 = arith.constant 368 : index
      %get3A_363 = tpu.vector_load %arg7[%get3A_362] {strides = array<i32>} : memref<512xf32, #tpu.memory_space<vmem>>, vector<16xf32>,
      %get3A_364 = arith.index_cast %scan3A_142 : i32 to index
      %get3A_365 = arith.constant 368 : index
      %get3A_366 = tpu.vector_load %arg6[%get3A_364, %get3A_365] {strides = array<i32>} : memref<26x512xf32, #tpu.memory_space<vmem>>, vector<16xf32>,
      %add3A_367 = arith.addf %get3A_363, %get3A_366 : vector<16xf32>
      %swap3A_368 = arith.constant 368 : index
      %swap3A_369 = tpu.vector_load %arg7[%swap3A_368] {strides = array<i32>} : memref<512xf32, #tpu.memory_space<vmem>>, vector<16xf32>,
      tpu.vector_store %arg7[%swap3A_368], %add3A_367 {strides = array<i32>} : memref<512xf32, #tpu.memory_space<vmem>>, vector<16xf32>,
      %get3A_370 = arith.constant 384 : index
      %get3A_371 = tpu.vector_load %arg7[%get3A_370] {strides = array<i32>} : memref<512xf32, #tpu.memory_space<vmem>>, vector<16xf32>,
      %get3A_372 = arith.index_cast %scan3A_142 : i32 to index
      %get3A_373 = arith.constant 384 : index
      %get3A_374 = tpu.vector_load %arg6[%get3A_372, %get3A_373] {strides = array<i32>} : memref<26x512xf32, #tpu.memory_space<vmem>>, vector<16xf32>,
      %add3A_375 = arith.addf %get3A_371, %get3A_374 : vector<16xf32>
      %swap3A_376 = arith.constant 384 : index
      %swap3A_377 = tpu.vector_load %arg7[%swap3A_376] {strides = array<i32>} : memref<512xf32, #tpu.memory_space<vmem>>, vector<16xf32>,
      tpu.vector_store %arg7[%swap3A_376], %add3A_375 {strides = array<i32>} : memref<512xf32, #tpu.memory_space<vmem>>, vector<16xf32>,
      %get3A_378 = arith.constant 400 : index
      %get3A_379 = tpu.vector_load %arg7[%get3A_378] {strides = array<i32>} : memref<512xf32, #tpu.memory_space<vmem>>, vector<16xf32>,
      %get3A_380 = arith.index_cast %scan3A_142 : i32 to index
      %get3A_381 = arith.constant 400 : index
      %get3A_382 = tpu.vector_load %arg6[%get3A_380, %get3A_381] {strides = array<i32>} : memref<26x512xf32, #tpu.memory_space<vmem>>, vector<16xf32>,
      %add3A_383 = arith.addf %get3A_379, %get3A_382 : vector<16xf32>
      %swap3A_384 = arith.constant 400 : index
      %swap3A_385 = tpu.vector_load %arg7[%swap3A_384] {strides = array<i32>} : memref<512xf32, #tpu.memory_space<vmem>>, vector<16xf32>,
      tpu.vector_store %arg7[%swap3A_384], %add3A_383 {strides = array<i32>} : memref<512xf32, #tpu.memory_space<vmem>>, vector<16xf32>,
      %get3A_386 = arith.constant 416 : index
      %get3A_387 = tpu.vector_load %arg7[%get3A_386] {strides = array<i32>} : memref<512xf32, #tpu.memory_space<vmem>>, vector<16xf32>,
      %get3A_388 = arith.index_cast %scan3A_142 : i32 to index
      %get3A_389 = arith.constant 416 : index
      %get3A_390 = tpu.vector_load %arg6[%get3A_388, %get3A_389] {strides = array<i32>} : memref<26x512xf32, #tpu.memory_space<vmem>>, vector<16xf32>,
      %add3A_391 = arith.addf %get3A_387, %get3A_390 : vector<16xf32>
      %swap3A_392 = arith.constant 416 : index
      %swap3A_393 = tpu.vector_load %arg7[%swap3A_392] {strides = array<i32>} : memref<512xf32, #tpu.memory_space<vmem>>, vector<16xf32>,
      tpu.vector_store %arg7[%swap3A_392], %add3A_391 {strides = array<i32>} : memref<512xf32, #tpu.memory_space<vmem>>, vector<16xf32>,
      %get3A_394 = arith.constant 432 : index
      %get3A_395 = tpu.vector_load %arg7[%get3A_394] {strides = array<i32>} : memref<512xf32, #tpu.memory_space<vmem>>, vector<16xf32>,
      %get3A_396 = arith.index_cast %scan3A_142 : i32 to index
      %get3A_397 = arith.constant 432 : index
      %get3A_398 = tpu.vector_load %arg6[%get3A_396, %get3A_397] {strides = array<i32>} : memref<26x512xf32, #tpu.memory_space<vmem>>, vector<16xf32>,
      %add3A_399 = arith.addf %get3A_395, %get3A_398 : vector<16xf32>
      %swap3A_400 = arith.constant 432 : index
      %swap3A_401 = tpu.vector_load %arg7[%swap3A_400] {strides = array<i32>} : memref<512xf32, #tpu.memory_space<vmem>>, vector<16xf32>,
      tpu.vector_store %arg7[%swap3A_400], %add3A_399 {strides = array<i32>} : memref<512xf32, #tpu.memory_space<vmem>>, vector<16xf32>,
      %get3A_402 = arith.constant 448 : index
      %get3A_403 = tpu.vector_load %arg7[%get3A_402] {strides = array<i32>} : memref<512xf32, #tpu.memory_space<vmem>>, vector<16xf32>,
      %get3A_404 = arith.index_cast %scan3A_142 : i32 to index
      %get3A_405 = arith.constant 448 : index
      %get3A_406 = tpu.vector_load %arg6[%get3A_404, %get3A_405] {strides = array<i32>} : memref<26x512xf32, #tpu.memory_space<vmem>>, vector<16xf32>,
      %add3A_407 = arith.addf %get3A_403, %get3A_406 : vector<16xf32>
      %swap3A_408 = arith.constant 448 : index
      %swap3A_409 = tpu.vector_load %arg7[%swap3A_408] {strides = array<i32>} : memref<512xf32, #tpu.memory_space<vmem>>, vector<16xf32>,
      tpu.vector_store %arg7[%swap3A_408], %add3A_407 {strides = array<i32>} : memref<512xf32, #tpu.memory_space<vmem>>, vector<16xf32>,
      %get3A_410 = arith.constant 464 : index
      %get3A_411 = tpu.vector_load %arg7[%get3A_410] {strides = array<i32>} : memref<512xf32, #tpu.memory_space<vmem>>, vector<16xf32>,
      %get3A_412 = arith.index_cast %scan3A_142 : i32 to index
      %get3A_413 = arith.constant 464 : index
      %get3A_414 = tpu.vector_load %arg6[%get3A_412, %get3A_413] {strides = array<i32>} : memref<26x512xf32, #tpu.memory_space<vmem>>, vector<16xf32>,
      %add3A_415 = arith.addf %get3A_411, %get3A_414 : vector<16xf32>
      %swap3A_416 = arith.constant 464 : index
      %swap3A_417 = tpu.vector_load %arg7[%swap3A_416] {strides = array<i32>} : memref<512xf32, #tpu.memory_space<vmem>>, vector<16xf32>,
      tpu.vector_store %arg7[%swap3A_416], %add3A_415 {strides = array<i32>} : memref<512xf32, #tpu.memory_space<vmem>>, vector<16xf32>,
      %get3A_418 = arith.constant 480 : index
      %get3A_419 = tpu.vector_load %arg7[%get3A_418] {strides = array<i32>} : memref<512xf32, #tpu.memory_space<vmem>>, vector<16xf32>,
      %get3A_420 = arith.index_cast %scan3A_142 : i32 to index
      %get3A_421 = arith.constant 480 : index
      %get3A_422 = tpu.vector_load %arg6[%get3A_420, %get3A_421] {strides = array<i32>} : memref<26x512xf32, #tpu.memory_space<vmem>>, vector<16xf32>,
      %add3A_423 = arith.addf %get3A_419, %get3A_422 : vector<16xf32>
      %swap3A_424 = arith.constant 480 : index
      %swap3A_425 = tpu.vector_load %arg7[%swap3A_424] {strides = array<i32>} : memref<512xf32, #tpu.memory_space<vmem>>, vector<16xf32>,
      tpu.vector_store %arg7[%swap3A_424], %add3A_423 {strides = array<i32>} : memref<512xf32, #tpu.memory_space<vmem>>, vector<16xf32>,
      %get3A_426 = arith.constant 496 : index
      %get3A_427 = tpu.vector_load %arg7[%get3A_426] {strides = array<i32>} : memref<512xf32, #tpu.memory_space<vmem>>, vector<16xf32>,
      %get3A_428 = arith.index_cast %scan3A_142 : i32 to index
      %get3A_429 = arith.constant 496 : index
      %get3A_430 = tpu.vector_load %arg6[%get3A_428, %get3A_429] {strides = array<i32>} : memref<26x512xf32, #tpu.memory_space<vmem>>, vector<16xf32>,
      %add3A_431 = arith.addf %get3A_427, %get3A_430 : vector<16xf32>
      %swap3A_432 = arith.constant 496 : index
      %swap3A_433 = tpu.vector_load %arg7[%swap3A_432] {strides = array<i32>} : memref<512xf32, #tpu.memory_space<vmem>>, vector<16xf32>,
      tpu.vector_store %arg7[%swap3A_432], %add3A_431 {strides = array<i32>} : memref<512xf32, #tpu.memory_space<vmem>>, vector<16xf32>,
      %scan3A_434 = arith.constant 0 : i32
      scf.yield %scan3A_434 : i32
    }
    %scan3A_141 = arith.constant 26 : i32
    "tpu.region"() ({
      %run_scoped3A = tpu.sem_alloc : memref<!tpu.dma_semaphore, #tpu.memory_space<semaphore_mem>>
      %dma_start3A = tpu.memref_slice %arg4[%mul3A_2] : memref<16384xf32, #tpu.memory_space<hbm>> -> memref<512xf32, #tpu.memory_space<hbm>>
      %dma_start3A_142 = tpu.memref_slice %arg4[%mul3A_2] : memref<16384xf32, #tpu.memory_space<hbm>> -> memref<512xf32, #tpu.memory_space<hbm>>
      tpu.enqueue_dma source(%arg7 : memref<512xf32, #tpu.memory_space<vmem>>) target(%dma_start3A_142 : memref<512xf32, #tpu.memory_space<hbm>>) target_semaphore(%run_scoped3A : memref<!tpu.dma_semaphore, #tpu.memory_space<semaphore_mem>>)
      %dma_wait3A = tpu.memref_slice %arg4[%mul3A_2] : memref<16384xf32, #tpu.memory_space<hbm>> -> memref<512xf32, #tpu.memory_space<hbm>>
      %dma_wait3A_143 = tpu.memref_slice %arg4[%mul3A_2] : memref<16384xf32, #tpu.memory_space<hbm>> -> memref<512xf32, #tpu.memory_space<hbm>>
      tpu.wait_dma2 semaphore(%run_scoped3A : memref<!tpu.dma_semaphore, #tpu.memory_space<semaphore_mem>>) src(%arg7 : memref<512xf32, #tpu.memory_space<vmem>>) dst(%dma_wait3A_143 : memref<512xf32, #tpu.memory_space<hbm>>)
      tpu.yield
    }) : () -> ()
    return
  }
}

</mosaic_0001>

<sc_bundles>
// kernel: _linear_logit.3.cloned.1.call-start
scs
__scs_entry_jumppad:
0x0: {  	(pc) =	sbr.rel $0x88, $3  }
0x1: {  	(tag) =	ssettag $0x0;
	lr =	simm.s32 $0x1  }
0x2: {  	[smem:$0x3F9F] =	sst lr;
	_ =	strace $0xD0000000  }
0x3: {  	_ = 	snop  }
0x4: {  	_ = 	snop  }
0x5: {  	_ = 	snop  }
0x6: {  	_ = 	snop  }
0x7: {  	_ = 	snop  }
__scs_overlays_trampoline_lowered:
0x8: {  	[smem:$0x3FAE] =	sst s0  }
0x9: {  	[smem:$0x3FAF] =	sst s1  }
0xa: {  	[smem:$0x3FB0] =	sst s2  }
0xb: {  	[smem:$0x3FB1] =	sst s3  }
0xc: {  	[smem:$0x3FB2] =	sst s4  }
0xd: {  	[smem:$0x3FB3] =	sst s5  }
0xe: {  	[smem:$0x3FB4] =	sst s6  }
0xf: {  	[smem:$0x3FB5] =	sst s7  }
0x10: {  	[smem:$0x3FB6] =	sst s8  }
0x11: {  	[smem:$0x3FB7] =	sst s9;
	s0 =	simm.s32 @!p0 $0x0  }
0x12: {  	s1 =	sld [smem:$0x3F9D];
	s0 =	simm.s32 @p0 $0x1  }
0x13: {  	[smem:$0x3FB8] =	sst s0;
	s0 =	simm.s32 @!p1 $0x0  }
0x14: {  	s2 =	sld [smem:$0x3F9C];
	s0 =	simm.s32 @p1 $0x1  }
0x15: {  	[smem:$0x3FB9] =	sst s0;
	s0 =	simm.s32 @!p2 $0x0  }
0x16: {  	s3 =	sld [smem:$0x3FDB];
	s0 =	simm.s32 @p2 $0x1  }
0x17: {  	s4 =	simm.s32 $0x1BF5;
	[smem:$0x3FBB] =	sst s0  }
0x18: {  	s0 =	sld [smem:$0x3F9E];
	_ =	swait.ge [sflag:s4], $0x0  }
0x19: {  	s7 =	sld [smem:$0x3F9F]  }
0x1a: {  	s8 =	sadd.s32 $0xFFFFE003, lr  }
0x1b: {  	s9 =	sadd.s32 $0xFFFFFEF7, lr;
	s5 =	simm.s32 $0xFFFFFFFF;
	p2 =	slt.u32 s8, $0xFFFFF086  }
0x1c: {  	p1 =	slt.u32 s9, $0xF7A;
	s5 =	simm.s32 @!p2 $0x0  }
0x1d: {  	s5 =	simm.s32 @p1 $0x1;
	p0 =	seq.s32 s7, s2  }
0x1e: {  	s7 =	smul.u32 @!p0 $0xF7A, s2;
	p2 =	seq.s32 @!p0 s5, $0x0  }
0x1f: {  	s9 =	smul.u32 $0xF7A, s1;
	s8 =	simm.s32 @!p0 $0x1BF5;
	p2 =	por !p2, p0  }
0x20: {  	[sflag:s8] =	ssyncset.s32 @!p0 $0xFFFFF086;
	s6 =	sadd.s32 @!p0 s3, s7;
	s7 =	simm.s32 @!p0 $0x108  }
0x21: {  	s3 =	sadd.s32 s3, s9;
	s6 =	sadd.s32 @!p0 $0x88, s6;
	s7 =	simm.s32 @p2 $0x1082  }
0x22: {  	[simem:s7], [sflag:s8] =	dma.local @!p0 [hbm:s6], $0xF7A  }
0x23: {  	s9 =	sor.u32 $0xD0000000, s2;
	s6 =	simm.s32 $0x108;
	_ =	swait.ge @!p0 [sflag:s8], $0x0  }
0x24: {  	s3 =	sadd.s32 $0x88, s3;
	s6 =	simm.s32 @!p1 $0x1082;
	[sflag:s4] =	ssyncset.s32 $0xFFFFF086  }
0x25: {  	[simem:s6], [sflag:s4] =	dma.local [hbm:s3], $0xF7A  }
0x26: {  	[smem:$0x3F9F] =	sst s1;
	(tag) =	ssettag s2;
	_ =	strace s9  }
0x27: {  	s1 =	sld [smem:$0x3FAF]  }
0x28: {  	s2 =	sld [smem:$0x3FB0]  }
0x29: {  	s4 =	sld [smem:$0x3FB2]  }
0x2a: {  	p0 =	seq.s32 s5, $0x0;
	s5 =	sld [smem:$0x3FB3]  }
0x2b: {  	s6 =	sld [smem:$0x3FB4]  }
0x2c: {  	s7 =	sld [smem:$0x3FB5]  }
0x2d: {  	s3 =	simm.s32 $0x108;
	s8 =	sld [smem:$0x3FB6]  }
0x2e: {  	s3 =	simm.s32 @!p0 $0x1082;
	s9 =	sld [smem:$0x3FB7]  }
0x2f: {  	lr =	sadd.s32 s0, s3;
	s0 =	sld [smem:$0x3FAE]  }
0x30: {  	s3 =	sld [smem:$0x3FB1]  }
0x31: {  	[smem:$0x3FBA] =	sst s10  }
0x32: {  	s10 =	sld [smem:$0x3FB8];
	_ =	sdelay $0x3  }
0x33: {  	p0 =	seq.s32 s10, $0x1;
	s10 =	sld [smem:$0x3FBA];
	_ =	sdelay $0x3  }
0x34: {  	[smem:$0x3FBA] =	sst s10  }
0x35: {  	s10 =	sld [smem:$0x3FB9];
	_ =	sdelay $0x3  }
0x36: {  	p1 =	seq.s32 s10, $0x1;
	s10 =	sld [smem:$0x3FBA];
	_ =	sdelay $0x3  }
0x37: {  	[smem:$0x3FBA] =	sst s10  }
0x38: {  	s10 =	sld [smem:$0x3FBB]  }
0x39: {  	_ = 	snop;
	(pc) =	sbr.ind lr, $3  }
0x3a: {  	_ = 	snop  }
0x3b: {  	_ = 	snop  }
0x3c: {  	p2 =	seq.s32 s10, $0x1;
	s10 =	sld [smem:$0x3FBA]  }
0x3d: {  	_ =	shalt  }
0x3e: {  	_ =	shalt  }
0x3f: {  	_ =	shalt  }
0x40: {  	_ =	shalt  }
0x41: {  	_ =	shalt  }
0x42: {  	_ =	shalt  }
0x43: {  	_ =	shalt  }
0x44: {  	_ =	shalt  }
0x45: {  	_ =	shalt  }
0x46: {  	_ =	shalt  }
0x47: {  	_ =	shalt  }
0x48: {  	_ =	shalt  }
0x49: {  	_ =	shalt  }
0x4a: {  	_ =	shalt  }
0x4b: {  	_ =	shalt  }
0x4c: {  	_ =	shalt  }
0x4d: {  	_ =	shalt  }
0x4e: {  	_ =	shalt  }
0x4f: {  	_ =	shalt  }
0x50: {  	_ =	shalt  }
0x51: {  	_ =	shalt  }
0x52: {  	_ =	shalt  }
0x53: {  	_ =	shalt  }
0x54: {  	_ =	shalt  }
0x55: {  	_ =	shalt  }
0x56: {  	_ =	shalt  }
0x57: {  	_ =	shalt  }
0x58: {  	_ =	shalt  }
0x59: {  	_ =	shalt  }
0x5a: {  	_ =	shalt  }
0x5b: {  	_ =	shalt  }
0x5c: {  	_ =	shalt  }
0x5d: {  	_ =	shalt  }
0x5e: {  	_ =	shalt  }
0x5f: {  	_ =	shalt  }
0x60: {  	_ =	shalt  }
0x61: {  	_ =	shalt  }
0x62: {  	_ =	shalt  }
0x63: {  	_ =	shalt  }
0x64: {  	_ =	shalt  }
0x65: {  	_ =	shalt  }
0x66: {  	_ =	shalt  }
0x67: {  	_ =	shalt  }
0x68: {  	_ =	shalt  }
0x69: {  	_ =	shalt  }
0x6a: {  	_ =	shalt  }
0x6b: {  	_ =	shalt  }
0x6c: {  	_ =	shalt  }
0x6d: {  	_ =	shalt  }
0x6e: {  	_ =	shalt  }
0x6f: {  	_ =	shalt  }
0x70: {  	_ =	shalt  }
0x71: {  	_ =	shalt  }
0x72: {  	_ =	shalt  }
0x73: {  	_ =	shalt  }
0x74: {  	_ =	shalt  }
0x75: {  	_ =	shalt  }
0x76: {  	_ =	shalt  }
0x77: {  	_ =	shalt  }
0x78: {  	_ =	shalt  }
0x79: {  	_ =	shalt  }
0x7a: {  	_ =	shalt  }
0x7b: {  	_ =	shalt  }
0x7c: {  	_ =	shalt  }
0x7d: {  	_ =	shalt  }
0x7e: {  	_ =	shalt  }
0x7f: {  	_ =	shalt  }
0x80: {  	_ =	shalt  }
0x81: {  	_ =	shalt  }
0x82: {  	_ =	shalt  }
0x83: {  	_ =	shalt  }
0x84: {  	_ =	shalt  }
0x85: {  	_ =	shalt  }
0x86: {  	_ =	shalt  }
0x87: {  	_ =	shalt  }
.Lfunc_end0:
.L_simem_size_0:
called_computation_lowered:
.L_overlay_start_0:
0x88: {  	s2 =	sld [smem:$0x3FD9]  }
0x89: {  	s3 =	sld [smem:$0x3FFE];
	_ =	sdelay $0x1  }
0x8a: {  	s1 =	srdreg.scid  }
0x8b: {  	s0 =	sand.u32 $0x1, s1  }
0x8c: {  	s18 =	sshll.u32 s0, $0xA;
	s2 =	sadd.s32 s3, s2  }
0x8d: {  	s2 =	sadd.s32 s2, s18  }
0x8e: {  	[smem:$0x3FC6] =	sst s2  }
0x8f: {  	_ = 	snop  }
0x90: {  	s2 =	sld [smem:$0x3FC9]  }
0x91: {  	s19 =	sld [smem:$0x3FC8]  }
0x92: {  	s4 =	sld [smem:$0x3FD0];
	(tm) =	ssettm $0x1  }
0x93: {  	s5 =	sld [smem:$0x3FFB];
	_ =	sdelay $0x3  }
0x94: {  	_ =	strace s5  }
0x95: {  	s5 =	sld [smem:$0x3FFC];
	_ =	sdelay $0x3  }
0x96: {  	_ =	strace s5  }
0x97: {  	s5 =	sld [smem:$0x3FFD];
	_ =	sdelay $0x3  }
0x98: {  	_ =	strace s5  }
0x99: {  	_ =	strace $0x8FFFFFFF  }
0x9a: {  	s20 =	sld [smem:$0x3FDB];
	_ =	sdelay $0x1  }
0x9b: {  	s6 =	simm.s32 $_scs_section_size  }
0x9c: {  	s7 =	simm.s32 $_size__tile_overlayer_lowered;
	s8 =	simm.s32 $_tile_overlayer_lowered  }
0x9d: {  	s23 =	simm.s32 $0x1BFF;
	s22 =	sshll.u32 s8, $0x1;
	s5 =	sadd.s32 s6, s20  }
0x9e: {  	s9 =	simm.s32 $0x0;
	s21 =	sshll.u32 s7, $0x1;
	s7 =	sadd.s32 s22, s5  }
0x9f: {  	[timem:s9], [sflag:s23] =	dma.local [hbm:s7], s21  }
0xa0: {  	_ =	swait.ge [sflag:s23], s21  }
0xa1: {  	s6 =	ssub.s32 $0x0, s21;
	[sflag:s23] =	ssyncset.done $0x0  }
0xa2: {  	[sflag:s23] =	ssyncadd.s32 s6;
	_ =	sdelay $0x1  }
0xa3: {  	s24 =	simm.s32 $0x1B8B  }
0xa4: {  	_ =	swait.ge [sflag:s24], $0x1  }
0xa5: {  	[sflag:s24] =	ssyncset.done $0x0  }
0xa6: {  	s25 =	simm.s32 $0x1B8E;
	[sflag:s24] =	ssyncadd.s32 $0xFFFFFFFF  }
0xa7: {  	s26 =	simm.s32 $execute0_lowered;
	[smem:$0x3FD2] =	sst s25  }
0xa8: {  	s6 =	sshll.u32 s26, $0x1;
	_ =	strace $0x80000046;
	[dreg:$0x1] =	wrdreg $0xFFFFFFFF  }
0xa9: {  	s28 =	simm.s32 $_size_execute0_lowered;
	s5 =	sadd.s32 s5, s6;
	[dreg:$0x0] =	wrdreg $0x0  }
0xaa: {  	s6 =	sshll.u32 s28, $0x1;
	[dreg:$0x2] =	wrdreg s5  }
0xab: {  	[dreg:$0x3] =	wrdreg s6  }
0xac: {  	[dreg:$0x4] =	wrdreg $0xC0  }
0xad: {  	_ =	task [dreg:s9], $0x5FFFF  }
0xae: {  	[dreg:$0x1] =	wrdreg $0xFFFFFFFF  }
0xaf: {  	[dreg:$0x0] =	wrdreg $0x60  }
0xb0: {  	[dreg:$0x2] =	wrdreg s2  }
0xb1: {  	[dreg:$0x3] =	wrdreg s19  }
0xb2: {  	[dreg:$0x4] =	wrdreg s4  }
0xb3: {  	[dreg:$0x5] =	wrdreg $0x9  }
0xb4: {  	_ =	task.clear_ibuf [dreg:s9], $0x6FFFF;
	_ =	strace $0x90000046  }
0xb5: {  	s29 =	simm.s32 $0x9;
	_ =	strace $0x80000048  }
0xb6: {  	_ =	swait.ge [sflag:s29], $0x1  }
0xb7: {  	[sflag:s29] =	ssyncadd.s32 $0xFFFFFFFF  }
0xb8: {  	_ =	strace $0x90000048  }
0xb9: {  	_ =	sfence  }
0xba: {  	s30 =	sld [smem:$0x0];
	_ =	sdelay $0x2  }
0xbb: {  	s31 =	sshll.u32 s1, $0xD;
	s1 =	sshrl.u32 s1, $0x2  }
0xbc: {  	s3 =	sand.u32 $0x4000, s31;
	s1 =	sadd.s32 s1, s30  }
0xbd: {  	s0 =	sor.u32 s3, s0;
	s1 =	sshll.u32 s1, $0x11  }
0xbe: {  	s0 =	sor.u32 s1, s0  }
0xbf: {  	s0 =	sadd.s32 $0x8F2B, s0  }
0xc0: {  	[sflag:s0] =	ssyncadd.remote.s32 $0x1  }
0xc1: {  	_ =	sfence.sel $0xFFFF  }
0xc2: {  	[dreg:$0x0] =	wrdreg $0xFFFFFFFF;
	(pc) =	sbr.abs _section_cstart, $3  }
0xc3: {  	[dreg:$0x1] =	wrdreg $0xFFFFFFFF  }
0xc4: {  	_ =	task.clear_ibuf [dreg:s9], $0x2FFFF;
	_ =	strace $0x9FFFFFFF  }
0xc5: {  	(tm) =	ssettm $0x7FFFFFFF  }
tec
execute0_lowered:
.L_overlay_start_1:
0x0: {  	(tag) =	ssettag $0x1  }
0x1: {  	s4 =	rddreg [dreg:$0x0]  }
0x2: {  	s1 =	rddreg [dreg:$0x1]  }
0x3: {  	s5 =	rddreg [dreg:$0x2]  }
0x4: {  	s0 =	rddreg [dreg:$0x3];
	s6 =	srdreg.scid  }
0x5: {  	s3 =	simm.s32 $0x0;
	s2 =	stileid.u32;
	s10 =	simm.s32 $0x80  }
0x6: {  	s11 =	simm.s32 $0x1;
	s12 =	simm.s32 $0x7400;
	s13 =	simm.s32 $0x0  }
0x7: {  	s6 =	sand.u32 $0x1, s6;
	s8 =	sshll.u32 s2, $0x7;
	[smem:$0x7FF] =	sst s3  }
0x8: {  	s7 =	ssub.s32 $0x2, s6;
	s6 =	sshll.u32 s6, $0x6;
	_ =	strace $0x80000047  }
0x9: {  	s9 =	sshrl.u32 s7, $0x1;
	s6 =	sor.u32 s6, s8;
	s8 =	simm.s32 $0x4000  }
0xa: {  	s7 =	ssub.s32 s7, s9;
	s4 =	sadd.s32 s4, s6;
	s5 =	sadd.s32 s5, s6  }
0xb: {  	s9 =	simm.s32 $0x2;
	s6 =	smax.u32 s7, $0x1;
	s7 =	simm.s32 $0x200  }
.LBB2_1:
0xc: {  	[tilespmem:s3], [sflag:$0x2] =	stream.strided.gather [hbm4b:s4+s7], $0x3400, s8, s7, $0x38;
	[tilespmem:$0x7600] =	vst v63  }
0xd: {  	_ =	swait.ge [sflag:s9], $0x3400  }
0xe: {  	[sflag:s9] =	ssyncset.done $0x0  }
0xf: {  	s14 =	sand.u32 $0x3000, s3;
	s18 =	simm.s32 $0x0;
	[sflag:s9] =	ssyncadd.s32 $0xFFFFCC00  }
0x10: {  	s15 =	sand.u32 $0x380, s3;
	s16 =	simm.s32 $0x800;
	s20 =	simm.s32 $0x80;
	v2 =	vld [tilespmem:s18+$0x40]  }
0x11: {  	s21 =	simm.s32 $0x200;
	s22 =	simm.s32 $0x186A0;
	s23 =	simm.s32 $0x1000;
	v3 =	vld [tilespmem:s18+$0x1B0]  }
0x12: {  	s19 =	simm.s32 $0x0;
	s30 =	sand.u32 $0x3000, s21;
	s31 =	sand.u32 $0x380, s20;
	v1 =	vld [tilespmem:s18+$0x130]  }
0x13: {  	s17 =	sor.u32 s15, s14;
	s15 =	simm.s32 $0x186A0;
	s14 =	sor.u32 s31, s30;
	v0 =	vld [tilespmem:s18+$0x120]  }
.LBB2_2:
0x14: {  	s20 =	sadd.s32 $0x80, s20  }
0x15: {  	s21 =	sadd.s32 $0x200, s21;
	s22 =	sadd.s32 $0x186A0, s22;
	v2 =	vadd.s32 s19, v2;
	v4 =	vld [tilespmem:s18+$0xD0];
	s24 =	smov.u32 s23  }
0x16: {  	p0 =	sne.s32 s23, $0xC800;
	s23 =	sadd.s32 $0x800, s23;
	s25 =	sand.u32 $0x3000, s21;
	v5 =	vld [tilespmem:s18+$0x1A0];
	v3 =	vadd.s32 s19, v3  }
0x17: {  	s26 =	sand.u32 $0x380, s20;
	v1 =	vadd.s32 s19, v1;
	v6 =	vld [tilespmem:s18+$0x190];
	[tilespmem:s18+$0x1B0] =	vst v3  }
0x18: {  	s25 =	sor.u32 s26, s25;
	[tilespmem:s18+$0x40] =	vst v2;
	v2 =	vld [tilespmem:s18+$0x180]  }
0x19: {  	v0 =	vadd.s32 s19, v0;
	[tilespmem:s18+$0x130] =	vst v1;
	v1 =	vld [tilespmem:s18+$0x1F0]  }
0x1a: {  	v3 =	vld [tilespmem:s18+$0x50]  }
0x1b: {  	[tilespmem:s18+$0x120] =	vst v0;
	v0 =	vadd.s32 s19, v5;
	v5 =	vld [tilespmem:s18+$0x1D0]  }
0x1c: {  	v6 =	vadd.s32 s19, v6;
	[tilespmem:s18+$0x1A0] =	vst v0;
	v0 =	vld [tilespmem:s18+$0x1C0]  }
0x1d: {  	v2 =	vadd.s32 s19, v2;
	[tilespmem:s18+$0x190] =	vst v6;
	v6 =	vld [tilespmem:s18+$0x1E0]  }
0x1e: {  	v7 =	vld [tilespmem:s18+$0x30];
	[tilespmem:s18+$0x180] =	vst v2;
	v1 =	vadd.s32 s19, v1  }
0x1f: {  	v2 =	vadd.s32 s19, v3;
	v3 =	vld [tilespmem:s18+$0x70];
	[tilespmem:s18+$0x1F0] =	vst v1  }
0x20: {  	v1 =	vld [tilespmem:s18+$0x20];
	[tilespmem:s18+$0x50] =	vst v2;
	v2 =	vadd.s32 s19, v5  }
0x21: {  	v5 =	vld [tilespmem:s18+$0x10];
	v0 =	vadd.s32 s19, v0;
	[tilespmem:s18+$0x1D0] =	vst v2  }
0x22: {  	v2 =	vld [tilespmem:s18+$0xF0];
	[tilespmem:s18+$0x1C0] =	vst v0;
	v0 =	vadd.s32 s19, v6  }
0x23: {  	v6 =	vadd.s32 s19, v7;
	v7 =	vld [tilespmem:s18+$0xC0];
	[tilespmem:s18+$0x1E0] =	vst v0  }
0x24: {  	[tilespmem:s18+$0x30] =	vst v6;
	v0 =	vadd.s32 s19, v3;
	v3 =	vld [tilespmem:s18+$0x80]  }
0x25: {  	v1 =	vadd.s32 s19, v1;
	[tilespmem:s18+$0x70] =	vst v0;
	v0 =	vld [tilespmem:s18+$0xB0]  }
0x26: {  	v5 =	vadd.s32 s19, v5;
	[tilespmem:s18+$0x20] =	vst v1;
	v1 =	vld [tilespmem:s18+$0xA0]  }
0x27: {  	v6 =	vld [tilespmem:s18+$0x0];
	[tilespmem:s18+$0x10] =	vst v5;
	v2 =	vadd.s32 s19, v2  }
0x28: {  	v5 =	vadd.s32 s19, v7;
	[tilespmem:s18+$0xF0] =	vst v2;
	v2 =	vld [tilespmem:s18+$0x170]  }
0x29: {  	v3 =	vadd.s32 s19, v3;
	[tilespmem:s18+$0xC0] =	vst v5;
	v5 =	vld [tilespmem:s18+$0x110]  }
0x2a: {  	[tilespmem:s18+$0x80] =	vst v3;
	v0 =	vadd.s32 s19, v0;
	v3 =	vld [tilespmem:s18+$0x100]  }
0x2b: {  	v1 =	vadd.s32 s19, v1;
	[tilespmem:s18+$0xB0] =	vst v0;
	v0 =	vld [tilespmem:s18+$0xE0]  }
0x2c: {  	v6 =	vadd.s32 s19, v6;
	[tilespmem:s18+$0xA0] =	vst v1;
	v1 =	vld [tilespmem:s18+$0x160]  }
0x2d: {  	[tilespmem:s18+$0x0] =	vst v6;
	v6 =	vld [tilespmem:s18+$0x150];
	v2 =	vadd.s32 s19, v2  }
0x2e: {  	v7 =	vld [tilespmem:s18+$0x60];
	v5 =	vadd.s32 s19, v5;
	[tilespmem:s18+$0x170] =	vst v2  }
0x2f: {  	v2 =	vld [tilespmem:s18+$0x90];
	v3 =	vadd.s32 s19, v3;
	[tilespmem:s18+$0x110] =	vst v5  }
0x30: {  	v0 =	vadd.s32 s19, v0;
	[tilespmem:s18+$0x100] =	vst v3;
	v3 =	vld [tilespmem:s18+$0x140]  }
0x31: {  	[tilespmem:s18+$0xE0] =	vst v0;
	v0 =	vadd.s32 s19, v1  }
0x32: {  	v1 =	vadd.s32 s19, v4;
	v4 =	vadd.s32 s19, v6;
	[tilespmem:s18+$0x160] =	vst v0  }
0x33: {  	v0 =	vadd.s32 s19, v7;
	[tilespmem:s18+$0x150] =	vst v4  }
0x34: {  	[tilespmem:s18+$0x60] =	vst v0;
	v0 =	vadd.s32 s19, v2  }
0x35: {  	[tilespmem:s18+$0x90] =	vst v0;
	v0 =	vadd.s32 s19, v3;
	s19 =	smov.u32 s15;
	s15 =	smov.u32 s22  }
0x36: {  	s26 =	sadd.s32 $0x3400, s17;
	[tilespmem:s18+$0x140] =	vst v0  }
0x37: {  	s28 =	sadd.s32 $0x80, s18;
	s29 =	sadd.s32 $0x3800, s17;
	[tilespmem:s18+$0xD0] =	vst v1  }
0x38: {  	[tilespmem:s26], [sflag:$0x1] =	stream.indirect.gather [hbm4b:s1+s10], $0x1, s18, s10, $0xb8;
	[tilespmem:$0x7600] =	vst v63  }
0x39: {  	s30 =	sadd.s32 $0x3C00, s17;
	s26 =	sadd.s32 $0x100, s18  }
0x3a: {  	[tilespmem:s29], [sflag:$0x1] =	stream.indirect.gather [hbm4b:s1+s10], $0x1, s28, s10, $0xb8;
	[tilespmem:$0x7600] =	vst v63  }
0x3b: {  	s28 =	sadd.s32 $0x180, s18;
	s29 =	sor.u32 $0x4000, s17;
	s17 =	smov.u32 s14  }
0x3c: {  	[tilespmem:s30], [sflag:$0x1] =	stream.indirect.gather [hbm4b:s1+s10], $0x1, s26, s10, $0xb8;
	[tilespmem:$0x7600] =	vst v63  }
0x3d: {  	s18 =	sshra.s32 s16, $0x2;
	s16 =	smov.u32 s24;
	s14 =	smov.u32 s25  }
0x3e: {  	[tilespmem:s29], [sflag:$0x1] =	stream.indirect.gather [hbm4b:s1+s10], $0x1, s28, s10, $0xb8;
	[tilespmem:$0x7600] =	vst v63  }
.Ltmp0:
0x3f: {  	v2 =	vld [tilespmem:s18+$0x40];
	(pc) =	sbr.rel @p0 .LBB2_2-.Ltmp0, $3  }
0x40: {  	v3 =	vld [tilespmem:s18+$0x1B0]  }
0x41: {  	v1 =	vld [tilespmem:s18+$0x130];
	_ =	sdelay $0x1  }
0x42: {  	v0 =	vld [tilespmem:s18+$0x120]  }
0x43: {  	v5 =	vld [tilespmem:s18+$0x1A0]  }
0x44: {  	v2 =	vadd.s32 s19, v2;
	v7 =	vld [tilespmem:s18+$0x30]  }
0x45: {  	v6 =	vld [tilespmem:s18+$0x190];
	v3 =	vadd.s32 s19, v3;
	[tilespmem:s18+$0x40] =	vst v2  }
0x46: {  	v2 =	vld [tilespmem:s18+$0x180];
	[tilespmem:s18+$0x1B0] =	vst v3;
	v1 =	vadd.s32 s19, v1  }
0x47: {  	[tilespmem:s18+$0x130] =	vst v1;
	v1 =	vld [tilespmem:s18+$0x1F0];
	v0 =	vadd.s32 s19, v0  }
0x48: {  	v3 =	vld [tilespmem:s18+$0x50];
	[tilespmem:s18+$0x120] =	vst v0;
	v0 =	vadd.s32 s19, v5  }
0x49: {  	v5 =	vld [tilespmem:s18+$0x1D0];
	v7 =	vadd.s32 s19, v7;
	[tilespmem:s18+$0x1A0] =	vst v0  }
0x4a: {  	v0 =	vadd.s32 s19, v6;
	v6 =	vld [tilespmem:s18+$0x1C0];
	[tilespmem:s18+$0x30] =	vst v7  }
0x4b: {  	v2 =	vadd.s32 s19, v2;
	[tilespmem:s18+$0x190] =	vst v0;
	v0 =	vld [tilespmem:s18+$0x1E0]  }
0x4c: {  	[tilespmem:s18+$0x180] =	vst v2;
	v2 =	vld [tilespmem:s18+$0x70];
	v1 =	vadd.s32 s19, v1  }
0x4d: {  	[tilespmem:s18+$0x1F0] =	vst v1;
	v1 =	vadd.s32 s19, v3;
	v3 =	vld [tilespmem:s18+$0x20]  }
0x4e: {  	[tilespmem:s18+$0x50] =	vst v1;
	v1 =	vadd.s32 s19, v5;
	v5 =	vld [tilespmem:s18+$0x10]  }
0x4f: {  	[tilespmem:s18+$0x1D0] =	vst v1;
	v1 =	vadd.s32 s19, v6;
	v6 =	vld [tilespmem:s18+$0xF0]  }
0x50: {  	[tilespmem:s18+$0x1C0] =	vst v1;
	v0 =	vadd.s32 s19, v0;
	v1 =	vld [tilespmem:s18+$0xC0]  }
0x51: {  	[tilespmem:s18+$0x1E0] =	vst v0;
	v0 =	vadd.s32 s19, v2;
	v2 =	vld [tilespmem:s18+$0x80]  }
0x52: {  	[tilespmem:s18+$0x70] =	vst v0;
	v0 =	vadd.s32 s19, v3;
	v3 =	vld [tilespmem:s18+$0xB0]  }
0x53: {  	[tilespmem:s18+$0x20] =	vst v0;
	v0 =	vld [tilespmem:s18+$0xA0];
	v5 =	vadd.s32 s19, v5  }
0x54: {  	v7 =	vld [tilespmem:s18+$0x0];
	[tilespmem:s18+$0x10] =	vst v5;
	v5 =	vadd.s32 s19, v6  }
0x55: {  	[tilespmem:s18+$0xF0] =	vst v5;
	v1 =	vadd.s32 s19, v1;
	v5 =	vld [tilespmem:s18+$0x170]  }
0x56: {  	[tilespmem:s18+$0xC0] =	vst v1;
	v1 =	vadd.s32 s19, v2;
	v2 =	vld [tilespmem:s18+$0x110]  }
0x57: {  	[tilespmem:s18+$0x80] =	vst v1;
	v1 =	vadd.s32 s19, v3;
	v3 =	vld [tilespmem:s18+$0x100]  }
0x58: {  	[tilespmem:s18+$0xB0] =	vst v1;
	v0 =	vadd.s32 s19, v0;
	v1 =	vld [tilespmem:s18+$0xE0]  }
0x59: {  	v6 =	vld [tilespmem:s18+$0x160];
	[tilespmem:s18+$0xA0] =	vst v0;
	v0 =	vadd.s32 s19, v7  }
0x5a: {  	[tilespmem:s18+$0x0] =	vst v0;
	v0 =	vld [tilespmem:s18+$0x150];
	v5 =	vadd.s32 s19, v5  }
0x5b: {  	v7 =	vld [tilespmem:s18+$0x60];
	[tilespmem:s18+$0x170] =	vst v5;
	v2 =	vadd.s32 s19, v2  }
0x5c: {  	v5 =	vld [tilespmem:s18+$0x90];
	v3 =	vadd.s32 s19, v3;
	[tilespmem:s18+$0x110] =	vst v2  }
0x5d: {  	v4 =	vld [tilespmem:s18+$0xD0];
	[tilespmem:s18+$0x100] =	vst v3;
	v1 =	vadd.s32 s19, v1  }
0x5e: {  	v2 =	vld [tilespmem:s18+$0x140];
	[tilespmem:s18+$0xE0] =	vst v1;
	v1 =	vadd.s32 s19, v6  }
0x5f: {  	v0 =	vadd.s32 s19, v0;
	[tilespmem:s18+$0x160] =	vst v1  }
0x60: {  	v1 =	vadd.s32 s19, v7;
	[tilespmem:s18+$0x150] =	vst v0  }
0x61: {  	[tilespmem:s18+$0x60] =	vst v1;
	v0 =	vadd.s32 s19, v5  }
0x62: {  	v1 =	vadd.s32 s19, v4;
	[tilespmem:s18+$0x90] =	vst v0  }
0x63: {  	v0 =	vadd.s32 s19, v2;
	[tilespmem:s18+$0xD0] =	vst v1  }
0x64: {  	s28 =	sadd.s32 $0x3400, s17;
	[tilespmem:s18+$0x140] =	vst v0  }
0x65: {  	[tilespmem:s28], [sflag:$0x1] =	stream.indirect.gather [hbm4b:s1+s10], $0x1, s18, s10, $0xb8;
	[tilespmem:$0x7600] =	vst v63  }
0x66: {  	s29 =	sadd.s32 $0x80, s18;
	s20 =	sadd.s32 $0x3800, s17  }
0x67: {  	[tilespmem:s20], [sflag:$0x1] =	stream.indirect.gather [hbm4b:s1+s10], $0x1, s29, s10, $0xb8;
	[tilespmem:$0x7600] =	vst v63  }
0x68: {  	s30 =	sadd.s32 $0x100, s18;
	s31 =	sadd.s32 $0x3C00, s17  }
0x69: {  	[tilespmem:s31], [sflag:$0x1] =	stream.indirect.gather [hbm4b:s1+s10], $0x1, s30, s10, $0xb8;
	[tilespmem:$0x7600] =	vst v63  }
0x6a: {  	s21 =	sor.u32 $0x4000, s17;
	s16 =	sshra.s32 s16, $0x2;
	s20 =	sadd.s32 $0x180, s18  }
0x6b: {  	[tilespmem:s21], [sflag:$0x1] =	stream.indirect.gather [hbm4b:s1+s10], $0x1, s20, s10, $0xb8;
	[tilespmem:$0x7600] =	vst v63  }
0x6c: {  	v0 =	vld [tilespmem:s16+$0x1B0]  }
0x6d: {  	v1 =	vld [tilespmem:s16+$0x40]  }
0x6e: {  	v2 =	vld [tilespmem:s16+$0x130]  }
0x6f: {  	v3 =	vld [tilespmem:s16+$0x120]  }
0x70: {  	v4 =	vld [tilespmem:s16+$0x1A0]  }
0x71: {  	v0 =	vadd.s32 s15, v0  }
0x72: {  	v5 =	vld [tilespmem:s16+$0x190];
	v1 =	vadd.s32 s15, v1;
	[tilespmem:s16+$0x1B0] =	vst v0  }
0x73: {  	v2 =	vadd.s32 s15, v2;
	v0 =	vld [tilespmem:s16+$0x180];
	[tilespmem:s16+$0x40] =	vst v1  }
0x74: {  	v3 =	vadd.s32 s15, v3;
	v1 =	vld [tilespmem:s16+$0x1F0];
	[tilespmem:s16+$0x130] =	vst v2  }
0x75: {  	v2 =	vld [tilespmem:s16+$0x50];
	[tilespmem:s16+$0x120] =	vst v3;
	v3 =	vadd.s32 s15, v4  }
0x76: {  	[tilespmem:s16+$0x1A0] =	vst v3;
	v3 =	vld [tilespmem:s16+$0x1C0]  }
0x77: {  	v5 =	vadd.s32 s15, v5;
	v4 =	vld [tilespmem:s16+$0x1D0]  }
0x78: {  	[tilespmem:s16+$0x190] =	vst v5;
	v5 =	vld [tilespmem:s16+$0x1E0];
	v0 =	vadd.s32 s15, v0  }
0x79: {  	v6 =	vld [tilespmem:s16+$0x30];
	[tilespmem:s16+$0x180] =	vst v0;
	v0 =	vadd.s32 s15, v1  }
0x7a: {  	v1 =	vadd.s32 s15, v2;
	v2 =	vld [tilespmem:s16+$0x70];
	[tilespmem:s16+$0x1F0] =	vst v0  }
0x7b: {  	v3 =	vadd.s32 s15, v3;
	v0 =	vld [tilespmem:s16+$0x20];
	[tilespmem:s16+$0x50] =	vst v1  }
0x7c: {  	v1 =	vadd.s32 s15, v4;
	v4 =	vld [tilespmem:s16+$0x10];
	[tilespmem:s16+$0x1C0] =	vst v3  }
0x7d: {  	v3 =	vadd.s32 s15, v5;
	[tilespmem:s16+$0x1D0] =	vst v1;
	v1 =	vld [tilespmem:s16+$0xF0]  }
0x7e: {  	v5 =	vadd.s32 s15, v6;
	v6 =	vld [tilespmem:s16+$0xC0];
	[tilespmem:s16+$0x1E0] =	vst v3  }
0x7f: {  	[tilespmem:s16+$0x30] =	vst v5;
	v3 =	vld [tilespmem:s16+$0x80];
	v2 =	vadd.s32 s15, v2  }
0x80: {  	v0 =	vadd.s32 s15, v0;
	[tilespmem:s16+$0x70] =	vst v2;
	v2 =	vld [tilespmem:s16+$0xB0]  }
0x81: {  	v4 =	vadd.s32 s15, v4;
	[tilespmem:s16+$0x20] =	vst v0;
	v0 =	vld [tilespmem:s16+$0xA0]  }
0x82: {  	v5 =	vld [tilespmem:s16+$0x0];
	[tilespmem:s16+$0x10] =	vst v4;
	v1 =	vadd.s32 s15, v1  }
0x83: {  	v4 =	vadd.s32 s15, v6;
	[tilespmem:s16+$0xF0] =	vst v1;
	v1 =	vld [tilespmem:s16+$0x170]  }
0x84: {  	v3 =	vadd.s32 s15, v3;
	[tilespmem:s16+$0xC0] =	vst v4;
	v4 =	vld [tilespmem:s16+$0x110]  }
0x85: {  	[tilespmem:s16+$0x80] =	vst v3;
	v3 =	vld [tilespmem:s16+$0x100];
	v2 =	vadd.s32 s15, v2  }
0x86: {  	v0 =	vadd.s32 s15, v0;
	[tilespmem:s16+$0xB0] =	vst v2;
	v2 =	vld [tilespmem:s16+$0xE0]  }
0x87: {  	v5 =	vadd.s32 s15, v5;
	[tilespmem:s16+$0xA0] =	vst v0;
	v0 =	vld [tilespmem:s16+$0x160]  }
0x88: {  	[tilespmem:s16+$0x0] =	vst v5;
	v5 =	vld [tilespmem:s16+$0x150];
	v1 =	vadd.s32 s15, v1  }
0x89: {  	v6 =	vld [tilespmem:s16+$0x60];
	v4 =	vadd.s32 s15, v4;
	[tilespmem:s16+$0x170] =	vst v1  }
0x8a: {  	v3 =	vadd.s32 s15, v3;
	v1 =	vld [tilespmem:s16+$0x90];
	[tilespmem:s16+$0x110] =	vst v4  }
0x8b: {  	[tilespmem:s16+$0x100] =	vst v3;
	v4 =	vld [tilespmem:s16+$0xD0];
	v2 =	vadd.s32 s15, v2  }
0x8c: {  	v3 =	vld [tilespmem:s16+$0x140];
	[tilespmem:s16+$0xE0] =	vst v2;
	v0 =	vadd.s32 s15, v0  }
0x8d: {  	v2 =	vadd.s32 s15, v5;
	[tilespmem:s16+$0x160] =	vst v0  }
0x8e: {  	v0 =	vadd.s32 s15, v6;
	[tilespmem:s16+$0x150] =	vst v2  }
0x8f: {  	[tilespmem:s16+$0x60] =	vst v0;
	v0 =	vadd.s32 s15, v1  }
0x90: {  	v1 =	vadd.s32 s15, v4;
	[tilespmem:s16+$0x90] =	vst v0  }
0x91: {  	v0 =	vadd.s32 s15, v3;
	[tilespmem:s16+$0xD0] =	vst v1  }
0x92: {  	s22 =	sadd.s32 $0x3400, s14;
	[tilespmem:s16+$0x140] =	vst v0  }
0x93: {  	[tilespmem:s22], [sflag:$0x1] =	stream.indirect.gather [hbm4b:s1+s10], $0x1, s16, s10, $0xb8;
	[tilespmem:$0x7600] =	vst v63  }
0x94: {  	s24 =	sadd.s32 $0x3800, s14;
	s23 =	sadd.s32 $0x80, s16  }
0x95: {  	[tilespmem:s24], [sflag:$0x1] =	stream.indirect.gather [hbm4b:s1+s10], $0x1, s23, s10, $0xb8;
	[tilespmem:$0x7600] =	vst v63  }
0x96: {  	s26 =	sadd.s32 $0x3C00, s14;
	s25 =	sadd.s32 $0x100, s16  }
0x97: {  	[tilespmem:s26], [sflag:$0x1] =	stream.indirect.gather [hbm4b:s1+s10], $0x1, s25, s10, $0xb8;
	[tilespmem:$0x7600] =	vst v63  }
0x98: {  	s28 =	sadd.s32 $0x180, s16;
	s29 =	sor.u32 $0x4000, s14  }
0x99: {  	v4 =	vimm.f32 $0.0e+00;
	[tilespmem:s29], [sflag:$0x1] =	stream.indirect.gather [hbm4b:s1+s10], $0x1, s28, s10, $0xb8;
	[tilespmem:$0x7600] =	vst v63  }
0x9a: {  	[tilespmem:$0x7400] =	vst v4  }
0x9b: {  	[tilespmem:$0x7410] =	vst v4  }
0x9c: {  	[tilespmem:$0x7420] =	vst v4  }
0x9d: {  	[tilespmem:$0x7430] =	vst v4  }
0x9e: {  	[tilespmem:$0x7440] =	vst v4  }
0x9f: {  	[tilespmem:$0x7450] =	vst v4  }
0xa0: {  	[tilespmem:$0x7460] =	vst v4  }
0xa1: {  	[tilespmem:$0x7470] =	vst v4  }
0xa2: {  	[tilespmem:$0x7480] =	vst v4  }
0xa3: {  	[tilespmem:$0x7490] =	vst v4  }
0xa4: {  	[tilespmem:$0x74A0] =	vst v4  }
0xa5: {  	[tilespmem:$0x74B0] =	vst v4  }
0xa6: {  	[tilespmem:$0x74C0] =	vst v4  }
0xa7: {  	[tilespmem:$0x74D0] =	vst v4  }
0xa8: {  	[tilespmem:$0x74E0] =	vst v4  }
0xa9: {  	[tilespmem:$0x74F0] =	vst v4  }
0xaa: {  	[tilespmem:$0x7500] =	vst v4  }
0xab: {  	[tilespmem:$0x7510] =	vst v4  }
0xac: {  	[tilespmem:$0x7520] =	vst v4  }
0xad: {  	[tilespmem:$0x7530] =	vst v4  }
0xae: {  	[tilespmem:$0x7540] =	vst v4  }
0xaf: {  	[tilespmem:$0x7550] =	vst v4  }
0xb0: {  	[tilespmem:$0x7560] =	vst v4  }
0xb1: {  	[tilespmem:$0x7570] =	vst v4  }
0xb2: {  	[tilespmem:$0x7580] =	vst v4  }
0xb3: {  	[tilespmem:$0x7590] =	vst v4  }
0xb4: {  	[tilespmem:$0x75A0] =	vst v4  }
0xb5: {  	[tilespmem:$0x75B0] =	vst v4  }
0xb6: {  	[tilespmem:$0x75C0] =	vst v4  }
0xb7: {  	[tilespmem:$0x75D0] =	vst v4  }
0xb8: {  	[tilespmem:$0x75E0] =	vst v4  }
0xb9: {  	[tilespmem:$0x75F0] =	vst v4  }
0xba: {  	_ =	swait.ge [sflag:s11], $0x80  }
0xbb: {  	[sflag:s11] =	ssyncset.done $0x0  }
0xbc: {  	[sflag:s11] =	ssyncadd.s32 $0xFFFFFF80  }
0xbd: {  	_ =	swait.ge [sflag:s11], $0x80  }
0xbe: {  	[sflag:s11] =	ssyncset.done $0x0  }
0xbf: {  	[sflag:s11] =	ssyncadd.s32 $0xFFFFFF80  }
0xc0: {  	_ =	swait.ge [sflag:s11], $0x80  }
0xc1: {  	[sflag:s11] =	ssyncset.done $0x0  }
0xc2: {  	[sflag:s11] =	ssyncadd.s32 $0xFFFFFF80  }
0xc3: {  	_ =	swait.ge [sflag:s11], $0x80  }
0xc4: {  	s14 =	simm.s32 $0x0;
	[sflag:s11] =	ssyncset.done $0x0  }
0xc5: {  	s30 =	sand.u32 $0x3000, s14;
	s31 =	sand.u32 $0x380, s14;
	[sflag:s11] =	ssyncadd.s32 $0xFFFFFF80  }
0xc6: {  	s15 =	sor.u32 s31, s30;
	v0 =	vld [tilespmem:$0x7400]  }
0xc7: {  	v1 =	vld [tilespmem:s15+$0x3400];
	_ =	sdelay $0x4  }
0xc8: {  	v0 =	vadd.f32 v1, v0;
	_ =	sdelay $0x1  }
0xc9: {  	v1 =	vld [tilespmem:$0x7410];
	[tilespmem:$0x7400] =	vst v0  }
0xca: {  	v0 =	vld [tilespmem:s15+$0x3410];
	_ =	sdelay $0x4  }
0xcb: {  	v0 =	vadd.f32 v0, v1;
	_ =	sdelay $0x1  }
0xcc: {  	v1 =	vld [tilespmem:$0x7420];
	[tilespmem:$0x7410] =	vst v0  }
0xcd: {  	v0 =	vld [tilespmem:s15+$0x3420];
	_ =	sdelay $0x4  }
0xce: {  	v0 =	vadd.f32 v0, v1;
	_ =	sdelay $0x1  }
0xcf: {  	v1 =	vld [tilespmem:$0x7430];
	[tilespmem:$0x7420] =	vst v0  }
0xd0: {  	v0 =	vld [tilespmem:s15+$0x3430];
	_ =	sdelay $0x4  }
0xd1: {  	v0 =	vadd.f32 v0, v1;
	_ =	sdelay $0x1  }
0xd2: {  	v1 =	vld [tilespmem:$0x7440];
	[tilespmem:$0x7430] =	vst v0  }
0xd3: {  	v0 =	vld [tilespmem:s15+$0x3440];
	_ =	sdelay $0x4  }
0xd4: {  	v0 =	vadd.f32 v0, v1;
	_ =	sdelay $0x1  }
0xd5: {  	v1 =	vld [tilespmem:$0x7450];
	[tilespmem:$0x7440] =	vst v0  }
0xd6: {  	v0 =	vld [tilespmem:s15+$0x3450];
	_ =	sdelay $0x4  }
0xd7: {  	v0 =	vadd.f32 v0, v1;
	_ =	sdelay $0x1  }
0xd8: {  	v1 =	vld [tilespmem:$0x7460];
	[tilespmem:$0x7450] =	vst v0  }
0xd9: {  	v0 =	vld [tilespmem:s15+$0x3460];
	_ =	sdelay $0x4  }
0xda: {  	v0 =	vadd.f32 v0, v1;
	_ =	sdelay $0x1  }
0xdb: {  	v1 =	vld [tilespmem:$0x7470];
	[tilespmem:$0x7460] =	vst v0  }
0xdc: {  	v0 =	vld [tilespmem:s15+$0x3470];
	_ =	sdelay $0x4  }
0xdd: {  	v0 =	vadd.f32 v0, v1;
	_ =	sdelay $0x1  }
0xde: {  	v1 =	vld [tilespmem:$0x7480];
	[tilespmem:$0x7470] =	vst v0  }
0xdf: {  	v0 =	vld [tilespmem:s15+$0x3800];
	_ =	sdelay $0x4  }
0xe0: {  	v0 =	vadd.f32 v0, v1;
	_ =	sdelay $0x1  }
0xe1: {  	v1 =	vld [tilespmem:$0x7490];
	[tilespmem:$0x7480] =	vst v0  }
0xe2: {  	v0 =	vld [tilespmem:s15+$0x3810];
	_ =	sdelay $0x4  }
0xe3: {  	v0 =	vadd.f32 v0, v1;
	_ =	sdelay $0x1  }
0xe4: {  	v1 =	vld [tilespmem:$0x74A0];
	[tilespmem:$0x7490] =	vst v0  }
0xe5: {  	v0 =	vld [tilespmem:s15+$0x3820];
	_ =	sdelay $0x4  }
0xe6: {  	v0 =	vadd.f32 v0, v1;
	_ =	sdelay $0x1  }
0xe7: {  	v1 =	vld [tilespmem:$0x74B0];
	[tilespmem:$0x74A0] =	vst v0  }
0xe8: {  	v0 =	vld [tilespmem:s15+$0x3830];
	_ =	sdelay $0x4  }
0xe9: {  	v0 =	vadd.f32 v0, v1;
	_ =	sdelay $0x1  }
0xea: {  	[tilespmem:$0x74B0] =	vst v0  }
0xeb: {  	v0 =	vld [tilespmem:s15+$0x3840];
	_ =	sdelay $0x4  }
0xec: {  	v0 =	vadd.f32 v0, v4;
	_ =	sdelay $0x1  }
0xed: {  	[tilespmem:$0x74C0] =	vst v0  }
0xee: {  	v1 =	vld [tilespmem:s15+$0x3850];
	_ =	sdelay $0x4  }
0xef: {  	v1 =	vadd.f32 v1, v4;
	_ =	sdelay $0x1  }
0xf0: {  	[tilespmem:$0x74D0] =	vst v1  }
0xf1: {  	v2 =	vld [tilespmem:s15+$0x3860];
	_ =	sdelay $0x4  }
0xf2: {  	v2 =	vadd.f32 v2, v4;
	_ =	sdelay $0x1  }
0xf3: {  	[tilespmem:$0x74E0] =	vst v2  }
0xf4: {  	v3 =	vld [tilespmem:s15+$0x3870];
	_ =	sdelay $0x4  }
0xf5: {  	v3 =	vadd.f32 v3, v4;
	_ =	sdelay $0x1  }
0xf6: {  	[tilespmem:$0x74F0] =	vst v3  }
0xf7: {  	v5 =	vld [tilespmem:s15+$0x3C00];
	_ =	sdelay $0x4  }
0xf8: {  	v4 =	vadd.f32 v5, v4;
	_ =	sdelay $0x1  }
0xf9: {  	v5 =	vld [tilespmem:$0x7510];
	[tilespmem:$0x7500] =	vst v4  }
0xfa: {  	v6 =	vld [tilespmem:s15+$0x3C10];
	_ =	sdelay $0x4  }
0xfb: {  	v5 =	vadd.f32 v6, v5;
	_ =	sdelay $0x1  }
0xfc: {  	v6 =	vld [tilespmem:$0x7520];
	[tilespmem:$0x7510] =	vst v5  }
0xfd: {  	v5 =	vld [tilespmem:s15+$0x3C20];
	_ =	sdelay $0x4  }
0xfe: {  	v5 =	vadd.f32 v5, v6;
	_ =	sdelay $0x1  }
0xff: {  	v6 =	vld [tilespmem:$0x7530];
	[tilespmem:$0x7520] =	vst v5  }
0x100: {  	v5 =	vld [tilespmem:s15+$0x3C30];
	_ =	sdelay $0x4  }
0x101: {  	v5 =	vadd.f32 v5, v6;
	_ =	sdelay $0x1  }
0x102: {  	v6 =	vld [tilespmem:$0x7540];
	[tilespmem:$0x7530] =	vst v5  }
0x103: {  	v5 =	vld [tilespmem:s15+$0x3C40];
	_ =	sdelay $0x4  }
0x104: {  	v5 =	vadd.f32 v5, v6;
	_ =	sdelay $0x1  }
0x105: {  	v6 =	vld [tilespmem:$0x7550];
	[tilespmem:$0x7540] =	vst v5  }
0x106: {  	v5 =	vld [tilespmem:s15+$0x3C50];
	_ =	sdelay $0x4  }
0x107: {  	v5 =	vadd.f32 v5, v6;
	_ =	sdelay $0x1  }
0x108: {  	v6 =	vld [tilespmem:$0x7560];
	[tilespmem:$0x7550] =	vst v5  }
0x109: {  	v5 =	vld [tilespmem:s15+$0x3C60];
	_ =	sdelay $0x4  }
0x10a: {  	v5 =	vadd.f32 v5, v6;
	_ =	sdelay $0x1  }
0x10b: {  	v6 =	vld [tilespmem:$0x7570];
	[tilespmem:$0x7560] =	vst v5  }
0x10c: {  	v5 =	vld [tilespmem:s15+$0x3C70];
	_ =	sdelay $0x4  }
0x10d: {  	v5 =	vadd.f32 v5, v6;
	_ =	sdelay $0x1  }
0x10e: {  	v6 =	vld [tilespmem:$0x7580];
	[tilespmem:$0x7570] =	vst v5  }
0x10f: {  	v5 =	vld [tilespmem:s15+$0x4000];
	_ =	sdelay $0x4  }
0x110: {  	v5 =	vadd.f32 v5, v6;
	_ =	sdelay $0x1  }
0x111: {  	v6 =	vld [tilespmem:$0x7590];
	[tilespmem:$0x7580] =	vst v5  }
0x112: {  	v5 =	vld [tilespmem:s15+$0x4010];
	_ =	sdelay $0x4  }
0x113: {  	v5 =	vadd.f32 v5, v6;
	_ =	sdelay $0x1  }
0x114: {  	v6 =	vld [tilespmem:$0x75A0];
	[tilespmem:$0x7590] =	vst v5  }
0x115: {  	v5 =	vld [tilespmem:s15+$0x4020];
	_ =	sdelay $0x4  }
0x116: {  	v5 =	vadd.f32 v5, v6;
	_ =	sdelay $0x1  }
0x117: {  	v6 =	vld [tilespmem:$0x75B0];
	[tilespmem:$0x75A0] =	vst v5  }
0x118: {  	v5 =	vld [tilespmem:s15+$0x4030];
	_ =	sdelay $0x4  }
0x119: {  	v5 =	vadd.f32 v5, v6;
	_ =	sdelay $0x1  }
0x11a: {  	v6 =	vld [tilespmem:$0x75C0];
	[tilespmem:$0x75B0] =	vst v5  }
0x11b: {  	v5 =	vld [tilespmem:s15+$0x4040];
	_ =	sdelay $0x4  }
0x11c: {  	v5 =	vadd.f32 v5, v6;
	_ =	sdelay $0x1  }
0x11d: {  	v6 =	vld [tilespmem:$0x75D0];
	[tilespmem:$0x75C0] =	vst v5  }
0x11e: {  	v5 =	vld [tilespmem:s15+$0x4050];
	_ =	sdelay $0x4  }
0x11f: {  	v5 =	vadd.f32 v5, v6;
	_ =	sdelay $0x1  }
0x120: {  	v6 =	vld [tilespmem:$0x75E0];
	[tilespmem:$0x75D0] =	vst v5  }
0x121: {  	v5 =	vld [tilespmem:s15+$0x4060];
	_ =	sdelay $0x4  }
0x122: {  	v5 =	vadd.f32 v5, v6;
	_ =	sdelay $0x1  }
0x123: {  	v6 =	vld [tilespmem:$0x75F0];
	[tilespmem:$0x75E0] =	vst v5  }
0x124: {  	v5 =	vld [tilespmem:s15+$0x4070];
	_ =	sdelay $0x4  }
0x125: {  	s15 =	simm.s32 $0x200;
	v5 =	vadd.f32 v5, v6  }
.LBB2_4:
0x126: {  	p0 =	sne.s32 s15, $0x3200  }
0x127: {  	s14 =	sadd.s32 $0x80, s14;
	s16 =	smov.u32 s15;
	s15 =	sadd.s32 $0x200, s15  }
0x128: {  	[tilespmem:$0x75F0] =	vst v5  }
0x129: {  	_ =	swait.ge [sflag:s11], $0x80  }
0x12a: {  	[sflag:s11] =	ssyncset.done $0x0  }
0x12b: {  	[sflag:s11] =	ssyncadd.s32 $0xFFFFFF80  }
0x12c: {  	_ =	swait.ge [sflag:s11], $0x80  }
0x12d: {  	[sflag:s11] =	ssyncset.done $0x0  }
0x12e: {  	[sflag:s11] =	ssyncadd.s32 $0xFFFFFF80  }
0x12f: {  	_ =	swait.ge [sflag:s11], $0x80  }
0x130: {  	[sflag:s11] =	ssyncset.done $0x0  }
0x131: {  	[sflag:s11] =	ssyncadd.s32 $0xFFFFFF80  }
0x132: {  	_ =	swait.ge [sflag:s11], $0x80  }
0x133: {  	s16 =	sand.u32 $0x3000, s16;
	s17 =	sand.u32 $0x380, s14;
	[sflag:s11] =	ssyncset.done $0x0  }
0x134: {  	s16 =	sor.u32 s17, s16;
	[sflag:s11] =	ssyncadd.s32 $0xFFFFFF80  }
0x135: {  	v5 =	vld [tilespmem:$0x7400]  }
0x136: {  	v6 =	vld [tilespmem:s16+$0x3400]  }
0x137: {  	v7 =	vld [tilespmem:$0x7410]  }
0x138: {  	v8 =	vld [tilespmem:$0x7420]  }
0x139: {  	v20 =	vld [tilespmem:$0x7430]  }
0x13a: {  	v21 =	vld [tilespmem:$0x7440]  }
0x13b: {  	v5 =	vadd.f32 v6, v5;
	v22 =	vld [tilespmem:$0x7450]  }
0x13c: {  	v23 =	vld [tilespmem:$0x7460]  }
0x13d: {  	[tilespmem:$0x7400] =	vst v5;
	v24 =	vld [tilespmem:$0x7470]  }
0x13e: {  	v5 =	vld [tilespmem:s16+$0x3410]  }
0x13f: {  	v25 =	vld [tilespmem:$0x7480]  }
0x140: {  	v26 =	vld [tilespmem:$0x7490]  }
0x141: {  	v27 =	vld [tilespmem:$0x74A0]  }
0x142: {  	v28 =	vld [tilespmem:$0x74B0]  }
0x143: {  	v5 =	vadd.f32 v5, v7;
	v19 =	vld [tilespmem:$0x7510]  }
0x144: {  	v18 =	vld [tilespmem:$0x7520]  }
0x145: {  	[tilespmem:$0x7410] =	vst v5;
	v17 =	vld [tilespmem:$0x7530]  }
0x146: {  	v5 =	vld [tilespmem:s16+$0x3420]  }
0x147: {  	v16 =	vld [tilespmem:$0x7540]  }
0x148: {  	v15 =	vld [tilespmem:$0x7550]  }
0x149: {  	v14 =	vld [tilespmem:$0x7560]  }
0x14a: {  	v13 =	vld [tilespmem:$0x7570]  }
0x14b: {  	v5 =	vadd.f32 v5, v8;
	v12 =	vld [tilespmem:$0x7580]  }
0x14c: {  	v11 =	vld [tilespmem:$0x7590]  }
0x14d: {  	[tilespmem:$0x7420] =	vst v5;
	v10 =	vld [tilespmem:$0x75A0]  }
0x14e: {  	v5 =	vld [tilespmem:s16+$0x3430]  }
0x14f: {  	v9 =	vld [tilespmem:$0x75B0]  }
0x150: {  	v8 =	vld [tilespmem:$0x75C0]  }
0x151: {  	v7 =	vld [tilespmem:$0x75D0]  }
0x152: {  	v6 =	vld [tilespmem:$0x75E0]  }
0x153: {  	v20 =	vadd.f32 v5, v20;
	v5 =	vld [tilespmem:$0x75F0];
	_ =	sdelay $0x1  }
0x154: {  	[tilespmem:$0x7430] =	vst v20  }
0x155: {  	v20 =	vld [tilespmem:s16+$0x3440];
	_ =	sdelay $0x4  }
0x156: {  	v20 =	vadd.f32 v20, v21;
	_ =	sdelay $0x1  }
0x157: {  	[tilespmem:$0x7440] =	vst v20  }
0x158: {  	v20 =	vld [tilespmem:s16+$0x3450];
	_ =	sdelay $0x4  }
0x159: {  	v20 =	vadd.f32 v20, v22;
	_ =	sdelay $0x1  }
0x15a: {  	[tilespmem:$0x7450] =	vst v20  }
0x15b: {  	v20 =	vld [tilespmem:s16+$0x3460];
	_ =	sdelay $0x4  }
0x15c: {  	v20 =	vadd.f32 v20, v23;
	_ =	sdelay $0x1  }
0x15d: {  	[tilespmem:$0x7460] =	vst v20  }
0x15e: {  	v20 =	vld [tilespmem:s16+$0x3470];
	_ =	sdelay $0x4  }
0x15f: {  	v20 =	vadd.f32 v20, v24;
	_ =	sdelay $0x1  }
0x160: {  	[tilespmem:$0x7470] =	vst v20  }
0x161: {  	v20 =	vld [tilespmem:s16+$0x3800];
	_ =	sdelay $0x4  }
0x162: {  	v20 =	vadd.f32 v20, v25;
	_ =	sdelay $0x1  }
0x163: {  	[tilespmem:$0x7480] =	vst v20  }
0x164: {  	v20 =	vld [tilespmem:s16+$0x3810];
	_ =	sdelay $0x4  }
0x165: {  	v20 =	vadd.f32 v20, v26;
	_ =	sdelay $0x1  }
0x166: {  	[tilespmem:$0x7490] =	vst v20  }
0x167: {  	v20 =	vld [tilespmem:s16+$0x3820];
	_ =	sdelay $0x4  }
0x168: {  	v20 =	vadd.f32 v20, v27;
	_ =	sdelay $0x1  }
0x169: {  	[tilespmem:$0x74A0] =	vst v20  }
0x16a: {  	v20 =	vld [tilespmem:s16+$0x3830];
	_ =	sdelay $0x4  }
0x16b: {  	v20 =	vadd.f32 v20, v28;
	_ =	sdelay $0x1  }
0x16c: {  	[tilespmem:$0x74B0] =	vst v20  }
0x16d: {  	v20 =	vld [tilespmem:s16+$0x3840];
	_ =	sdelay $0x4  }
0x16e: {  	v0 =	vadd.f32 v20, v0;
	_ =	sdelay $0x1  }
0x16f: {  	[tilespmem:$0x74C0] =	vst v0  }
0x170: {  	v20 =	vld [tilespmem:s16+$0x3850];
	_ =	sdelay $0x4  }
0x171: {  	v1 =	vadd.f32 v20, v1;
	_ =	sdelay $0x1  }
0x172: {  	[tilespmem:$0x74D0] =	vst v1  }
0x173: {  	v20 =	vld [tilespmem:s16+$0x3860];
	_ =	sdelay $0x4  }
0x174: {  	v2 =	vadd.f32 v20, v2;
	_ =	sdelay $0x1  }
0x175: {  	[tilespmem:$0x74E0] =	vst v2  }
0x176: {  	v20 =	vld [tilespmem:s16+$0x3870];
	_ =	sdelay $0x4  }
0x177: {  	v3 =	vadd.f32 v20, v3;
	_ =	sdelay $0x1  }
0x178: {  	[tilespmem:$0x74F0] =	vst v3  }
0x179: {  	v20 =	vld [tilespmem:s16+$0x3C00];
	_ =	sdelay $0x4  }
0x17a: {  	v4 =	vadd.f32 v20, v4;
	_ =	sdelay $0x1  }
0x17b: {  	[tilespmem:$0x7500] =	vst v4  }
0x17c: {  	v20 =	vld [tilespmem:s16+$0x3C10];
	_ =	sdelay $0x4  }
0x17d: {  	v19 =	vadd.f32 v20, v19;
	_ =	sdelay $0x1  }
0x17e: {  	[tilespmem:$0x7510] =	vst v19  }
0x17f: {  	v19 =	vld [tilespmem:s16+$0x3C20];
	_ =	sdelay $0x4  }
0x180: {  	v18 =	vadd.f32 v19, v18;
	_ =	sdelay $0x1  }
0x181: {  	[tilespmem:$0x7520] =	vst v18  }
0x182: {  	v18 =	vld [tilespmem:s16+$0x3C30];
	_ =	sdelay $0x4  }
0x183: {  	v17 =	vadd.f32 v18, v17;
	_ =	sdelay $0x1  }
0x184: {  	[tilespmem:$0x7530] =	vst v17  }
0x185: {  	v17 =	vld [tilespmem:s16+$0x3C40];
	_ =	sdelay $0x4  }
0x186: {  	v16 =	vadd.f32 v17, v16;
	_ =	sdelay $0x1  }
0x187: {  	[tilespmem:$0x7540] =	vst v16  }
0x188: {  	v16 =	vld [tilespmem:s16+$0x3C50];
	_ =	sdelay $0x4  }
0x189: {  	v15 =	vadd.f32 v16, v15;
	_ =	sdelay $0x1  }
0x18a: {  	[tilespmem:$0x7550] =	vst v15  }
0x18b: {  	v15 =	vld [tilespmem:s16+$0x3C60];
	_ =	sdelay $0x4  }
0x18c: {  	v14 =	vadd.f32 v15, v14;
	_ =	sdelay $0x1  }
0x18d: {  	[tilespmem:$0x7560] =	vst v14  }
0x18e: {  	v14 =	vld [tilespmem:s16+$0x3C70];
	_ =	sdelay $0x4  }
0x18f: {  	v13 =	vadd.f32 v14, v13;
	_ =	sdelay $0x1  }
0x190: {  	[tilespmem:$0x7570] =	vst v13  }
0x191: {  	v13 =	vld [tilespmem:s16+$0x4000];
	_ =	sdelay $0x4  }
0x192: {  	v12 =	vadd.f32 v13, v12;
	_ =	sdelay $0x1  }
0x193: {  	[tilespmem:$0x7580] =	vst v12  }
0x194: {  	v12 =	vld [tilespmem:s16+$0x4010];
	_ =	sdelay $0x4  }
0x195: {  	v11 =	vadd.f32 v12, v11;
	_ =	sdelay $0x1  }
0x196: {  	[tilespmem:$0x7590] =	vst v11  }
0x197: {  	v11 =	vld [tilespmem:s16+$0x4020];
	_ =	sdelay $0x4  }
0x198: {  	v10 =	vadd.f32 v11, v10;
	_ =	sdelay $0x1  }
0x199: {  	[tilespmem:$0x75A0] =	vst v10  }
0x19a: {  	v10 =	vld [tilespmem:s16+$0x4030];
	_ =	sdelay $0x4  }
0x19b: {  	v9 =	vadd.f32 v10, v9;
	_ =	sdelay $0x1  }
0x19c: {  	[tilespmem:$0x75B0] =	vst v9  }
0x19d: {  	v9 =	vld [tilespmem:s16+$0x4040];
	_ =	sdelay $0x4  }
0x19e: {  	v8 =	vadd.f32 v9, v8;
	_ =	sdelay $0x1  }
0x19f: {  	[tilespmem:$0x75C0] =	vst v8  }
0x1a0: {  	v8 =	vld [tilespmem:s16+$0x4050];
	_ =	sdelay $0x4  }
0x1a1: {  	v7 =	vadd.f32 v8, v7;
	_ =	sdelay $0x1  }
0x1a2: {  	[tilespmem:$0x75D0] =	vst v7  }
0x1a3: {  	v7 =	vld [tilespmem:s16+$0x4060];
	_ =	sdelay $0x4  }
0x1a4: {  	v6 =	vadd.f32 v7, v6;
	_ =	sdelay $0x1  }
0x1a5: {  	[tilespmem:$0x75E0] =	vst v6  }
0x1a6: {  	v6 =	vld [tilespmem:s16+$0x4070]  }
.Ltmp1:
0x1a7: {  	(pc) =	sbr.rel @p0 .LBB2_4-.Ltmp1, $2  }
0x1a8: {  	_ =	sdelay $0x2  }
0x1a9: {  	v5 =	vadd.f32 v6, v5  }
0x1aa: {  	s13 =	sadd.s32 $0x1, s13  }
0x1ab: {  	p0 =	sne.s32 s13, s6  }
.Ltmp2:
0x1ac: {  	[tilespmem:$0x75F0] =	vst v5;
	(pc) =	sbr.rel @p0 .LBB2_1-.Ltmp2, $4  }
0x1ad: {  	[hbm4b:s5+s3] =	stream.linear.scatter [tilespmem:s12], [sflag:$0x2], $0x200, $0x38;
	[tilespmem:$0x7600] =	vst v63  }
0x1ae: {  	_ =	swait.ge [sflag:s9], $0x200  }
0x1af: {  	[sflag:s9] =	ssyncset.done $0x0  }
0x1b0: {  	[sflag:s9] =	ssyncadd.s32 $0xFFFFFE00  }
0x1b1: {  	_ =	sfence.sel $0x180000  }
0x1b2: {  	[bflag:$0x0] =	sbarrier.arrive $0xFFFF  }
0x1b3: {  	p0 =	sne.s32 s2, $0x0;
	_ =	strace $0x90000047  }
0x1b4: {  	s0 =	sadd.s32 @!p0 $0x100000, s0;
	[bflag:$0x2] =	sbarrier.arrive $0xFFFF  }
0x1b5: {  	[sflag:s0] =	ssyncadd.tile.s32 @!p0 $0x1;
	_ =	shalt  }
.Lfunc_end2:
_tile_overlayer_lowered:
.L_overlay_start_2:
0x1b6: {  	(tag) =	ssettag $0x2  }
0x1b7: {  	s0 =	rddreg [dreg:$0x0];
	s2 =	stileid.u32  }
0x1b8: {  	s1 =	rddreg [dreg:$0x1];
	p0 =	sne.s32 s2, $0x0  }
0x1b9: {  	s3 =	rddreg [dreg:$0x2];
	[bflag:$0x3] =	sbarrier.arrive $0xFFFF;
	s2 =	simm.s32 @!p0 $0x1C02  }
0x1ba: {  	[timem:s3], [sflag:s2] =	dma.local @!p0 [hbm:s0], s1  }
0x1bb: {  	s0 =	simm.s32 @!p0 $0x2  }
0x1bc: {  	_ =	swait.ge @!p0 [sflag:s0], s1  }
0x1bd: {  	s1 =	ssub.s32 @!p0 $0x0, s1;
	[sflag:s0] =	ssyncset.done @!p0 $0x0  }
0x1be: {  	[sflag:s0] =	ssyncadd.s32 @!p0 s1  }
0x1bf: {  	[bflag:$0x3] =	sbarrier.arrive $0xFFFF  }
0x1c0: {  	_ =	shalt  }

</sc_bundles>
